<compile_context>
chip_gen: v7x
topology: tpu7x:2x2x1
jax: 0.10.2.dev20260603
libtpu: 0.0.44.dev20260713+nightly
codegen_flags: <defaults>
</compile_context>

<pallas_src>
import functools

import jax
import jax.numpy as jnp
from jax import lax
from jax.experimental import pallas as pl
from jax.experimental.pallas import tpu as pltpu
from jax.experimental.pallas import tpu_sc as plsc

_B, _L, _H, _V, _K = 64, 8192, 64, 64, 8
_LANES = 16
_NC, _NS = 2, 16
_NW = _NC * _NS
_ROWS_PER_W = _B // _NW



_NREP = 8
_REP_SZ = _LANES * _V


def _sc_hist_body(seq_hbm, counts_hbm, seq_v, hist_v, cnt_v, sem):
    wid = lax.axis_index("s") * _NC + lax.axis_index("c")
    lane_base = lax.broadcasted_iota(jnp.int32, (_LANES,), 0) * _V
    ones = jnp.ones((_LANES,), jnp.int32)
    zeros = jnp.zeros((_LANES,), jnp.int32)
    row0 = wid * _ROWS_PER_W

    for r in range(_ROWS_PER_W):
        row = row0 + r

        @plsc.parallel_loop(0, _NREP * _REP_SZ, _LANES, unroll=4)
        def _zero(k):
            hist_v[pl.ds(k, _LANES)] = zeros

        pltpu.sync_copy(seq_hbm.at[row], seq_v)

        @plsc.parallel_loop(0, _L // _LANES, 1, unroll=8)
        def _scatter(i):
            vals = seq_v[pl.ds(i * _LANES, _LANES)]
            rep = (i & (_NREP - 1)) * _REP_SZ
            plsc.addupdate_scatter(hist_v, [lane_base + vals + rep], ones)

        for s in (_NREP // 2, _NREP // 4, _NREP // 8):
            @plsc.parallel_loop(0, s * _REP_SZ, _LANES, unroll=4)
            def _fold_rep(k):
                sl = pl.ds(k, _LANES)
                hist_v[sl] = hist_v[sl] + hist_v[pl.ds(k + s * _REP_SZ, _LANES)]

        for s in (8, 4, 2, 1):
            @plsc.parallel_loop(0, s * _V, _LANES, unroll=2)
            def _fold_lane(k):
                sl = pl.ds(k, _LANES)
                hist_v[sl] = hist_v[sl] + hist_v[pl.ds(k + s * _V, _LANES)]

        for g in range(_V // _LANES):
            sl = pl.ds(g * _LANES, _LANES)
            cnt_v[sl] = hist_v[sl]
        pltpu.sync_copy(cnt_v, counts_hbm.at[row])


_sc_hist = functools.partial(
    pl.kernel,
    out_type=jax.ShapeDtypeStruct((_B, _V), jnp.int32),
    mesh=plsc.VectorSubcoreMesh(core_axis_name="c", subcore_axis_name="s"),
    scratch_types=[
        pltpu.VMEM((_L,), jnp.int32),
        pltpu.VMEM((_NREP * _REP_SZ,), jnp.int32),
        pltpu.VMEM((_V,), jnp.int32),
        pltpu.SemaphoreType.DMA,
    ],
    compiler_params=pltpu.CompilerParams(needs_layout_passes=False),
)(_sc_hist_body)



def _dot(a, b):
    return lax.dot_general(a, b, (((1,), (0,)), ((), ())),
                           preferred_element_type=jnp.float32)


def _dot_t(a, b):
    return lax.dot_general(a, b, (((1,), (1,)), ((), ())),
                           preferred_element_type=jnp.float32)


def _dot0(a, b):
    return lax.dot_general(a, b, (((0,), (0,)), ((), ())),
                           preferred_element_type=jnp.float32)


def _tc_tail_body(counts_ref, seqt_ref, embed_ref, w1_ref, b1_ref, w2_ref,
                  b2_ref, gamma_ref, beta_ref, wg_ref, bg_ref, wq_ref,
                  bq_ref, wo_ref, bo_ref, out_ref, mem_ref):
    counts = counts_ref[...].astype(jnp.float32)

    emb = embed_ref[...]
    t1 = jnp.maximum(_dot_t(emb, w1_ref[...]) + b1_ref[...], 0.0)
    ff = _dot_t(t1, w2_ref[...]) + b2_ref[...]
    x = emb + ff
    mu = jnp.mean(x, axis=1, keepdims=True)
    var = jnp.mean((x - mu) ** 2, axis=1, keepdims=True)
    ht = (x - mu) / jnp.sqrt(var + 1e-5) * gamma_ref[...] + beta_ref[...]

    wgp = jnp.broadcast_to(wg_ref[...], (8, _H))
    bg = bg_ref[0, 0]
    gt8 = _dot_t(ht, wgp) + bg

    iota_row = lax.broadcasted_iota(jnp.int32, (1, _V), 1).astype(jnp.float32)
    iota_col = lax.broadcasted_iota(jnp.int32, (_V, 1), 0).astype(jnp.float32)
    eye = jnp.where(iota_col == iota_row, 1.0, 0.0)

    def _transpose8(cols8):
        return _dot0(cols8, eye)

    gt_col = gt8[:, 0:1]
    gt_row = _transpose8(gt8)[0:1, :]

    m_vu = jnp.where(
        (gt_row > gt_col)
        | ((gt_row == gt_col) & (iota_row < iota_col)),
        1.0, 0.0)
    rank_col = jnp.sum(m_vu, axis=1, keepdims=True)
    rank_row = _transpose8(rank_col * jnp.ones((1, 8), jnp.float32))[0:1, :]

    p = jnp.where(rank_col == iota_row, 1.0, 0.0)
    pt = jnp.where(iota_col == rank_row, 1.0, 0.0)
    sc_sorted = _dot(counts, p)
    ht_sorted = _dot(pt, ht)

    tri = jnp.where(iota_col < iota_row, 1.0, 0.0)
    cum = _dot(sc_sorted, tri)
    upper = cum + sc_sorted

    last = seqt_ref[:, -1:]
    oh_last = jnp.where(
        last == lax.broadcasted_iota(jnp.int32, (1, _V), 1), 1.0, 0.0)
    hl = _dot(oh_last, ht)
    q = _dot_t(hl, wq_ref[...]) + bq_ref[...]

    mems = []
    score_cols = []
    for k in range(_K):
        kf = jnp.float32(k)
        wk = jnp.where((cum <= kf) & (kf < upper), 1.0, 0.0)
        mem_k = _dot(wk, ht_sorted)
        mems.append(mem_k)
        mem_ref[:, k, :] = mem_k
        score_cols.append(jnp.sum(mem_k * q, axis=1, keepdims=True) * 0.125)
    scores = jnp.concatenate(score_cols, axis=1)
    smax = jnp.max(scores, axis=1, keepdims=True)
    ex = jnp.exp(scores - smax)
    attn = ex / jnp.sum(ex, axis=1, keepdims=True)

    ctx = jnp.zeros((_B, _H), jnp.float32)
    for k in range(_K):
        ctx = ctx + attn[:, k:k + 1] * mems[k]
    out_ref[...] = _dot_t(ctx, wo_ref[...]) + bo_ref[...]


def _tc_tail(counts, seq_tail, embed, W1, b1, W2, b2, gamma, beta, Wg, bg,
             Wq, bq, Wo, bo):
    full = lambda shape: pl.BlockSpec(shape, lambda i: (0, 0))
    return pl.pallas_call(
        _tc_tail_body,
        grid=(1,),
        in_specs=[
            full((_B, _V)),
            pl.BlockSpec((_B, 128), lambda i: (0, _L // 128 - 1)),
            full((_V, _H)),
            full((2 * _H, _H)),
            full((1, 2 * _H)),
            full((_H, 2 * _H)),
            full((1, _H)),
            full((1, _H)),
            full((1, _H)),
            full((1, _H)),
            full((1, 1)),
            full((_H, _H)),
            full((1, _H)),
            full((_V, _H)),
            full((1, _V)),
        ],
        out_specs=[
            pl.BlockSpec((_B, _V), lambda i: (0, 0)),
            pl.BlockSpec((_B, _K, _H), lambda i: (0, 0, 0)),
        ],
        out_shape=[
            jax.ShapeDtypeStruct((_B, _V), jnp.float32),
            jax.ShapeDtypeStruct((_B, _K, _H), jnp.float32),
        ],
    )(counts, seq_tail, embed, W1, b1.reshape(1, -1), W2, b2.reshape(1, -1),
      gamma.reshape(1, -1), beta.reshape(1, -1), Wg,
      bg.reshape(1, 1), Wq, bq.reshape(1, -1), Wo, bo.reshape(1, -1))


def kernel(seq, embed, W1, b1, W2, b2, gamma, beta, Wg, bg, Wq, bq, Wo, bo):
    counts = _sc_hist(seq)
    out, memory = _tc_tail(counts, seq, embed, W1, b1, W2, b2,
                           gamma, beta, Wg, bg, Wq, bq, Wo, bo)
    return out, memory

# --- scband reference (transcript-rebuilt; emitter-appended) ---
"""Pipeline reference for scband-standard-slot-model-3204045603462 (READ-ONLY COPY).

The authoritative reference and input builder live on the scoring server;
editing this copy changes nothing except your own understanding.
"""

import jax, jax.numpy as jnp
import numpy as np

B, L, H, V, K = 64, 8192, 64, 64, 8

def setup_inputs(seed: int = 0) -> dict:
    key = jax.random.key(seed)
    ks = jax.random.split(key, 14)
    seq = jax.random.randint(ks[0], (B, L), 0, V)
    embed = jax.random.normal(ks[1], (V, H), dtype=jnp.float32) * 0.02
    W1 = jax.random.normal(ks[2], (2 * H, H), dtype=jnp.float32) * 0.05
    b1 = jnp.zeros((2 * H,), dtype=jnp.float32)
    W2 = jax.random.normal(ks[3], (H, 2 * H), dtype=jnp.float32) * 0.05
    b2 = jnp.zeros((H,), dtype=jnp.float32)
    gamma = jnp.ones((H,), dtype=jnp.float32)
    beta = jnp.zeros((H,), dtype=jnp.float32)
    Wg = jax.random.normal(ks[4], (1, H), dtype=jnp.float32) * 0.05
    bg = jnp.zeros((1,), dtype=jnp.float32)
    Wq = jax.random.normal(ks[5], (H, H), dtype=jnp.float32) * 0.05
    bq = jnp.zeros((H,), dtype=jnp.float32)
    Wo = jax.random.normal(ks[6], (V, H), dtype=jnp.float32) * 0.05
    bo = jnp.zeros((V,), dtype=jnp.float32)
    return {"seq": seq, "embed": embed, "W1": W1, "b1": b1, "W2": W2, "b2": b2,
            "gamma": gamma, "beta": beta, "Wg": Wg, "bg": bg, "Wq": Wq, "bq": bq,
            "Wo": Wo, "bo": bo}

def _layernorm(x, gamma, beta, eps=1e-5):
    mu = jnp.mean(x, axis=-1, keepdims=True)
    var = jnp.mean((x - mu) ** 2, axis=-1, keepdims=True)
    return (x - mu) / jnp.sqrt(var + eps) * gamma + beta

def reference(seq, embed, W1, b1, W2, b2, gamma, beta, Wg, bg, Wq, bq, Wo, bo):
    # Encoder
    h0 = jnp.take(embed, seq, axis=0)                 # [B, L, H] gather
    t = jax.nn.relu(h0 @ W1.T + b1)                   # [B, L, 2H]
    ff = t @ W2.T + b2                                # [B, L, H]
    h = _layernorm(h0 + ff, gamma, beta)              # [B, L, H]
    # gate -> top-k slot selection
    g = (h @ Wg.T + bg)[..., 0]                       # [B, L]
    k = min(K, L)
    _, idx = jax.lax.top_k(g, k)                      # [B, K]
    memory = jnp.take_along_axis(h, idx[:, :, None], axis=1)  # [B, K, H] gather
    # attention over memory slots using last-token query
    q = h[:, -1, :] @ Wq.T + bq                       # [B, H]
    scores = jnp.einsum('bkh,bh->bk', memory, q) / jnp.sqrt(jnp.float32(H))
    attn = jax.nn.softmax(scores, axis=-1)            # [B, K]
    ctx = jnp.sum(attn[:, :, None] * memory, axis=1)  # [B, H]
    out = ctx @ Wo.T + bo                             # [B, V]
    return out, memory

if __name__ == "__main__":
    import jax
    _d = setup_inputs()
    print(jax.jit(kernel)(*tuple(_d.values())))

</pallas_src>

<mosaic_0001>
#map = affine_map<(d0, d1) -> (0, 0)>
module attributes {stable_mosaic.version = 14 : i64} {
  func.func @_sc_hist_body(%arg0: i32, %arg1: i32, %arg2: memref<64x8192xi32, #tpu.memory_space<hbm>>, %arg3: memref<64x64xi32, #tpu.memory_space<hbm>>, %arg4: memref<8192xi32, #tpu.memory_space<vmem>>, %arg5: memref<8192xi32, #tpu.memory_space<vmem>>, %arg6: memref<64xi32, #tpu.memory_space<vmem>>, %arg7: memref<!tpu.dma_semaphore, #tpu.memory_space<semaphore_mem>>) attributes {dimension_semantics = [#tpu.dimension_semantics<core_parallel>, #tpu.dimension_semantics<subcore_parallel>], iteration_bounds = array<i64: 2, 16>, scalar_prefetch = 0 : i64, scratch_operands = 4 : i64, tpu.core_type = #tpu.core_type<sc_vector_subcore>, window_params = [{transform_indices = #map}, {transform_indices = #map}]} {
    %mul3A = arith.constant 2 : i32
    %mul3A_0 = arith.muli %arg1, %mul3A : i32
    %add3A = arith.addi %mul3A_0, %arg0 : i32
    %iota3A = tpu.iota {dimensions = array<i32: 0>} : vector<16xi32>
    %mul3A_1 = arith.constant 64 : i32
    %mul3A_2 = vector.broadcast %mul3A_1 : i32 to vector<16xi32>
    %mul3A_3 = arith.muli %iota3A, %mul3A_2 : vector<16xi32>
    %broadcast_in_dim3A = arith.constant 1 : i32
    %broadcast_in_dim3A_4 = vector.broadcast %broadcast_in_dim3A : i32 to vector<16xi32>
    %broadcast_in_dim3A_5 = arith.constant 0 : i32
    %broadcast_in_dim3A_6 = vector.broadcast %broadcast_in_dim3A_5 : i32 to vector<16xi32>
    %mul3A_7 = arith.constant 2 : i32
    %mul3A_8 = arith.muli %add3A, %mul3A_7 : i32
    %add3A_9 = arith.constant 0 : i32
    %add3A_10 = arith.addi %mul3A_8, %add3A_9 : i32
    %parallel_loop3A = arith.constant 0 : i32
    %parallel_loop3A_11 = arith.constant 8192 : i32
    %parallel_loop3A_12 = arith.constant 16 : i32
    scf.for %parallel_loop3A_96 = %parallel_loop3A to %parallel_loop3A_11 step %parallel_loop3A_12  : i32 {
      %parallel_loop3A_97 = arith.index_cast %parallel_loop3A_96 : i32 to index
      %parallel_loop3A_98 = tpu.vector_load %arg5[%parallel_loop3A_97] {strides = array<i32>} : memref<8192xi32, #tpu.memory_space<vmem>>, vector<16xi32>,
      tpu.vector_store %arg5[%parallel_loop3A_97], %broadcast_in_dim3A_6 {strides = array<i32>} : memref<8192xi32, #tpu.memory_space<vmem>>, vector<16xi32>,
    } {sc.loop_unroll_factor = 4 : i64, sc.parallel_access}
    "tpu.region"() ({
      %run_scoped3A = tpu.sem_alloc : memref<!tpu.dma_semaphore, #tpu.memory_space<semaphore_mem>>
      %dma_start3A = arith.constant 0 : i32
      %dma_start3A_96 = tpu.memref_slice %arg2[%add3A_10, %dma_start3A] : memref<64x8192xi32, #tpu.memory_space<hbm>> -> memref<1x8192xi32, #tpu.memory_space<hbm>>
      %dma_start3A_97 = tpu.memref_squeeze %dma_start3A_96 : memref<1x8192xi32, #tpu.memory_space<hbm>> -> memref<8192xi32, #tpu.memory_space<hbm>>
      %dma_start3A_98 = arith.constant 0 : i32
      %dma_start3A_99 = tpu.memref_slice %arg2[%add3A_10, %dma_start3A_98] : memref<64x8192xi32, #tpu.memory_space<hbm>> -> memref<1x8192xi32, #tpu.memory_space<hbm>>
      %dma_start3A_100 = tpu.memref_squeeze %dma_start3A_99 : memref<1x8192xi32, #tpu.memory_space<hbm>> -> memref<8192xi32, #tpu.memory_space<hbm>>
      tpu.enqueue_dma source(%dma_start3A_100 : memref<8192xi32, #tpu.memory_space<hbm>>) target(%arg4 : memref<8192xi32, #tpu.memory_space<vmem>>) target_semaphore(%run_scoped3A : memref<!tpu.dma_semaphore, #tpu.memory_space<semaphore_mem>>)
      %dma_wait3A = arith.constant 0 : i32
      %dma_wait3A_101 = tpu.memref_slice %arg2[%add3A_10, %dma_wait3A] : memref<64x8192xi32, #tpu.memory_space<hbm>> -> memref<1x8192xi32, #tpu.memory_space<hbm>>
      %dma_wait3A_102 = tpu.memref_squeeze %dma_wait3A_101 : memref<1x8192xi32, #tpu.memory_space<hbm>> -> memref<8192xi32, #tpu.memory_space<hbm>>
      %dma_wait3A_103 = arith.constant 0 : i32
      %dma_wait3A_104 = tpu.memref_slice %arg2[%add3A_10, %dma_wait3A_103] : memref<64x8192xi32, #tpu.memory_space<hbm>> -> memref<1x8192xi32, #tpu.memory_space<hbm>>
      %dma_wait3A_105 = tpu.memref_squeeze %dma_wait3A_104 : memref<1x8192xi32, #tpu.memory_space<hbm>> -> memref<8192xi32, #tpu.memory_space<hbm>>
      tpu.wait_dma2 semaphore(%run_scoped3A : memref<!tpu.dma_semaphore, #tpu.memory_space<semaphore_mem>>) src(%dma_wait3A_105 : memref<8192xi32, #tpu.memory_space<hbm>>) dst(%arg4 : memref<8192xi32, #tpu.memory_space<vmem>>)
      tpu.yield
    }) : () -> ()
    %parallel_loop3A_13 = arith.constant 0 : i32
    %parallel_loop3A_14 = arith.constant 512 : i32
    %parallel_loop3A_15 = arith.constant 1 : i32
    scf.for %parallel_loop3A_96 = %parallel_loop3A_13 to %parallel_loop3A_14 step %parallel_loop3A_15  : i32 {
      %parallel_loop3A_97 = arith.constant 16 : i32
      %parallel_loop3A_98 = arith.muli %parallel_loop3A_96, %parallel_loop3A_97 : i32
      %parallel_loop3A_99 = arith.index_cast %parallel_loop3A_98 : i32 to index
      %parallel_loop3A_100 = tpu.vector_load %arg4[%parallel_loop3A_99] {strides = array<i32>} : memref<8192xi32, #tpu.memory_space<vmem>>, vector<16xi32>,
      %parallel_loop3A_101 = arith.constant 7 : i32
      %parallel_loop3A_102 = arith.andi %parallel_loop3A_96, %parallel_loop3A_101 : i32
      %parallel_loop3A_103 = arith.constant 1024 : i32
      %parallel_loop3A_104 = arith.muli %parallel_loop3A_102, %parallel_loop3A_103 : i32
      %parallel_loop3A_105 = arith.addi %mul3A_3, %parallel_loop3A_100 : vector<16xi32>
      %parallel_loop3A_106 = vector.broadcast %parallel_loop3A_104 : i32 to vector<16xi32>
      %parallel_loop3A_107 = arith.addi %parallel_loop3A_105, %parallel_loop3A_106 : vector<16xi32>
      tpu.vector_store_idx %arg5[%parallel_loop3A_107], %broadcast_in_dim3A_4 {add = true} : memref<8192xi32, #tpu.memory_space<vmem>>[vector<16xi32>], vector<16xi32>,
    } {sc.loop_unroll_factor = 8 : i64, sc.parallel_access}
    %parallel_loop3A_16 = arith.constant 0 : i32
    %parallel_loop3A_17 = arith.constant 4096 : i32
    %parallel_loop3A_18 = arith.constant 16 : i32
    scf.for %parallel_loop3A_96 = %parallel_loop3A_16 to %parallel_loop3A_17 step %parallel_loop3A_18  : i32 {
      %parallel_loop3A_97 = arith.index_cast %parallel_loop3A_96 : i32 to index
      %parallel_loop3A_98 = tpu.vector_load %arg5[%parallel_loop3A_97] {strides = array<i32>} : memref<8192xi32, #tpu.memory_space<vmem>>, vector<16xi32>,
      %parallel_loop3A_99 = arith.constant 4096 : i32
      %parallel_loop3A_100 = arith.addi %parallel_loop3A_96, %parallel_loop3A_99 : i32
      %parallel_loop3A_101 = arith.index_cast %parallel_loop3A_100 : i32 to index
      %parallel_loop3A_102 = tpu.vector_load %arg5[%parallel_loop3A_101] {strides = array<i32>} : memref<8192xi32, #tpu.memory_space<vmem>>, vector<16xi32>,
      %parallel_loop3A_103 = arith.addi %parallel_loop3A_98, %parallel_loop3A_102 : vector<16xi32>
      %parallel_loop3A_104 = arith.index_cast %parallel_loop3A_96 : i32 to index
      %parallel_loop3A_105 = tpu.vector_load %arg5[%parallel_loop3A_104] {strides = array<i32>} : memref<8192xi32, #tpu.memory_space<vmem>>, vector<16xi32>,
      tpu.vector_store %arg5[%parallel_loop3A_104], %parallel_loop3A_103 {strides = array<i32>} : memref<8192xi32, #tpu.memory_space<vmem>>, vector<16xi32>,
    } {sc.loop_unroll_factor = 4 : i64, sc.parallel_access}
    %parallel_loop3A_19 = arith.constant 0 : i32
    %parallel_loop3A_20 = arith.constant 2048 : i32
    %parallel_loop3A_21 = arith.constant 16 : i32
    scf.for %parallel_loop3A_96 = %parallel_loop3A_19 to %parallel_loop3A_20 step %parallel_loop3A_21  : i32 {
      %parallel_loop3A_97 = arith.index_cast %parallel_loop3A_96 : i32 to index
      %parallel_loop3A_98 = tpu.vector_load %arg5[%parallel_loop3A_97] {strides = array<i32>} : memref<8192xi32, #tpu.memory_space<vmem>>, vector<16xi32>,
      %parallel_loop3A_99 = arith.constant 2048 : i32
      %parallel_loop3A_100 = arith.addi %parallel_loop3A_96, %parallel_loop3A_99 : i32
      %parallel_loop3A_101 = arith.index_cast %parallel_loop3A_100 : i32 to index
      %parallel_loop3A_102 = tpu.vector_load %arg5[%parallel_loop3A_101] {strides = array<i32>} : memref<8192xi32, #tpu.memory_space<vmem>>, vector<16xi32>,
      %parallel_loop3A_103 = arith.addi %parallel_loop3A_98, %parallel_loop3A_102 : vector<16xi32>
      %parallel_loop3A_104 = arith.index_cast %parallel_loop3A_96 : i32 to index
      %parallel_loop3A_105 = tpu.vector_load %arg5[%parallel_loop3A_104] {strides = array<i32>} : memref<8192xi32, #tpu.memory_space<vmem>>, vector<16xi32>,
      tpu.vector_store %arg5[%parallel_loop3A_104], %parallel_loop3A_103 {strides = array<i32>} : memref<8192xi32, #tpu.memory_space<vmem>>, vector<16xi32>,
    } {sc.loop_unroll_factor = 4 : i64, sc.parallel_access}
    %parallel_loop3A_22 = arith.constant 0 : i32
    %parallel_loop3A_23 = arith.constant 1024 : i32
    %parallel_loop3A_24 = arith.constant 16 : i32
    scf.for %parallel_loop3A_96 = %parallel_loop3A_22 to %parallel_loop3A_23 step %parallel_loop3A_24  : i32 {
      %parallel_loop3A_97 = arith.index_cast %parallel_loop3A_96 : i32 to index
      %parallel_loop3A_98 = tpu.vector_load %arg5[%parallel_loop3A_97] {strides = array<i32>} : memref<8192xi32, #tpu.memory_space<vmem>>, vector<16xi32>,
      %parallel_loop3A_99 = arith.constant 1024 : i32
      %parallel_loop3A_100 = arith.addi %parallel_loop3A_96, %parallel_loop3A_99 : i32
      %parallel_loop3A_101 = arith.index_cast %parallel_loop3A_100 : i32 to index
      %parallel_loop3A_102 = tpu.vector_load %arg5[%parallel_loop3A_101] {strides = array<i32>} : memref<8192xi32, #tpu.memory_space<vmem>>, vector<16xi32>,
      %parallel_loop3A_103 = arith.addi %parallel_loop3A_98, %parallel_loop3A_102 : vector<16xi32>
      %parallel_loop3A_104 = arith.index_cast %parallel_loop3A_96 : i32 to index
      %parallel_loop3A_105 = tpu.vector_load %arg5[%parallel_loop3A_104] {strides = array<i32>} : memref<8192xi32, #tpu.memory_space<vmem>>, vector<16xi32>,
      tpu.vector_store %arg5[%parallel_loop3A_104], %parallel_loop3A_103 {strides = array<i32>} : memref<8192xi32, #tpu.memory_space<vmem>>, vector<16xi32>,
    } {sc.loop_unroll_factor = 4 : i64, sc.parallel_access}
    %parallel_loop3A_25 = arith.constant 0 : i32
    %parallel_loop3A_26 = arith.constant 512 : i32
    %parallel_loop3A_27 = arith.constant 16 : i32
    scf.for %parallel_loop3A_96 = %parallel_loop3A_25 to %parallel_loop3A_26 step %parallel_loop3A_27  : i32 {
      %parallel_loop3A_97 = arith.index_cast %parallel_loop3A_96 : i32 to index
      %parallel_loop3A_98 = tpu.vector_load %arg5[%parallel_loop3A_97] {strides = array<i32>} : memref<8192xi32, #tpu.memory_space<vmem>>, vector<16xi32>,
      %parallel_loop3A_99 = arith.constant 512 : i32
      %parallel_loop3A_100 = arith.addi %parallel_loop3A_96, %parallel_loop3A_99 : i32
      %parallel_loop3A_101 = arith.index_cast %parallel_loop3A_100 : i32 to index
      %parallel_loop3A_102 = tpu.vector_load %arg5[%parallel_loop3A_101] {strides = array<i32>} : memref<8192xi32, #tpu.memory_space<vmem>>, vector<16xi32>,
      %parallel_loop3A_103 = arith.addi %parallel_loop3A_98, %parallel_loop3A_102 : vector<16xi32>
      %parallel_loop3A_104 = arith.index_cast %parallel_loop3A_96 : i32 to index
      %parallel_loop3A_105 = tpu.vector_load %arg5[%parallel_loop3A_104] {strides = array<i32>} : memref<8192xi32, #tpu.memory_space<vmem>>, vector<16xi32>,
      tpu.vector_store %arg5[%parallel_loop3A_104], %parallel_loop3A_103 {strides = array<i32>} : memref<8192xi32, #tpu.memory_space<vmem>>, vector<16xi32>,
    } {sc.loop_unroll_factor = 2 : i64, sc.parallel_access}
    %parallel_loop3A_28 = arith.constant 0 : i32
    %parallel_loop3A_29 = arith.constant 256 : i32
    %parallel_loop3A_30 = arith.constant 16 : i32
    scf.for %parallel_loop3A_96 = %parallel_loop3A_28 to %parallel_loop3A_29 step %parallel_loop3A_30  : i32 {
      %parallel_loop3A_97 = arith.index_cast %parallel_loop3A_96 : i32 to index
      %parallel_loop3A_98 = tpu.vector_load %arg5[%parallel_loop3A_97] {strides = array<i32>} : memref<8192xi32, #tpu.memory_space<vmem>>, vector<16xi32>,
      %parallel_loop3A_99 = arith.constant 256 : i32
      %parallel_loop3A_100 = arith.addi %parallel_loop3A_96, %parallel_loop3A_99 : i32
      %parallel_loop3A_101 = arith.index_cast %parallel_loop3A_100 : i32 to index
      %parallel_loop3A_102 = tpu.vector_load %arg5[%parallel_loop3A_101] {strides = array<i32>} : memref<8192xi32, #tpu.memory_space<vmem>>, vector<16xi32>,
      %parallel_loop3A_103 = arith.addi %parallel_loop3A_98, %parallel_loop3A_102 : vector<16xi32>
      %parallel_loop3A_104 = arith.index_cast %parallel_loop3A_96 : i32 to index
      %parallel_loop3A_105 = tpu.vector_load %arg5[%parallel_loop3A_104] {strides = array<i32>} : memref<8192xi32, #tpu.memory_space<vmem>>, vector<16xi32>,
      tpu.vector_store %arg5[%parallel_loop3A_104], %parallel_loop3A_103 {strides = array<i32>} : memref<8192xi32, #tpu.memory_space<vmem>>, vector<16xi32>,
    } {sc.loop_unroll_factor = 2 : i64, sc.parallel_access}
    %parallel_loop3A_31 = arith.constant 0 : i32
    %parallel_loop3A_32 = arith.constant 128 : i32
    %parallel_loop3A_33 = arith.constant 16 : i32
    scf.for %parallel_loop3A_96 = %parallel_loop3A_31 to %parallel_loop3A_32 step %parallel_loop3A_33  : i32 {
      %parallel_loop3A_97 = arith.index_cast %parallel_loop3A_96 : i32 to index
      %parallel_loop3A_98 = tpu.vector_load %arg5[%parallel_loop3A_97] {strides = array<i32>} : memref<8192xi32, #tpu.memory_space<vmem>>, vector<16xi32>,
      %parallel_loop3A_99 = arith.constant 128 : i32
      %parallel_loop3A_100 = arith.addi %parallel_loop3A_96, %parallel_loop3A_99 : i32
      %parallel_loop3A_101 = arith.index_cast %parallel_loop3A_100 : i32 to index
      %parallel_loop3A_102 = tpu.vector_load %arg5[%parallel_loop3A_101] {strides = array<i32>} : memref<8192xi32, #tpu.memory_space<vmem>>, vector<16xi32>,
      %parallel_loop3A_103 = arith.addi %parallel_loop3A_98, %parallel_loop3A_102 : vector<16xi32>
      %parallel_loop3A_104 = arith.index_cast %parallel_loop3A_96 : i32 to index
      %parallel_loop3A_105 = tpu.vector_load %arg5[%parallel_loop3A_104] {strides = array<i32>} : memref<8192xi32, #tpu.memory_space<vmem>>, vector<16xi32>,
      tpu.vector_store %arg5[%parallel_loop3A_104], %parallel_loop3A_103 {strides = array<i32>} : memref<8192xi32, #tpu.memory_space<vmem>>, vector<16xi32>,
    } {sc.loop_unroll_factor = 2 : i64, sc.parallel_access}
    %parallel_loop3A_34 = arith.constant 0 : i32
    %parallel_loop3A_35 = arith.constant 64 : i32
    %parallel_loop3A_36 = arith.constant 16 : i32
    scf.for %parallel_loop3A_96 = %parallel_loop3A_34 to %parallel_loop3A_35 step %parallel_loop3A_36  : i32 {
      %parallel_loop3A_97 = arith.index_cast %parallel_loop3A_96 : i32 to index
      %parallel_loop3A_98 = tpu.vector_load %arg5[%parallel_loop3A_97] {strides = array<i32>} : memref<8192xi32, #tpu.memory_space<vmem>>, vector<16xi32>,
      %parallel_loop3A_99 = arith.constant 64 : i32
      %parallel_loop3A_100 = arith.addi %parallel_loop3A_96, %parallel_loop3A_99 : i32
      %parallel_loop3A_101 = arith.index_cast %parallel_loop3A_100 : i32 to index
      %parallel_loop3A_102 = tpu.vector_load %arg5[%parallel_loop3A_101] {strides = array<i32>} : memref<8192xi32, #tpu.memory_space<vmem>>, vector<16xi32>,
      %parallel_loop3A_103 = arith.addi %parallel_loop3A_98, %parallel_loop3A_102 : vector<16xi32>
      %parallel_loop3A_104 = arith.index_cast %parallel_loop3A_96 : i32 to index
      %parallel_loop3A_105 = tpu.vector_load %arg5[%parallel_loop3A_104] {strides = array<i32>} : memref<8192xi32, #tpu.memory_space<vmem>>, vector<16xi32>,
      tpu.vector_store %arg5[%parallel_loop3A_104], %parallel_loop3A_103 {strides = array<i32>} : memref<8192xi32, #tpu.memory_space<vmem>>, vector<16xi32>,
    } {sc.loop_unroll_factor = 2 : i64, sc.parallel_access}
    %get3A = arith.constant 0 : index
    %get3A_37 = tpu.vector_load %arg5[%get3A] {strides = array<i32>} : memref<8192xi32, #tpu.memory_space<vmem>>, vector<16xi32>,
    %swap3A = arith.constant 0 : index
    %swap3A_38 = tpu.vector_load %arg6[%swap3A] {strides = array<i32>} : memref<64xi32, #tpu.memory_space<vmem>>, vector<16xi32>,
    tpu.vector_store %arg6[%swap3A], %get3A_37 {strides = array<i32>} : memref<64xi32, #tpu.memory_space<vmem>>, vector<16xi32>,
    %get3A_39 = arith.constant 16 : index
    %get3A_40 = tpu.vector_load %arg5[%get3A_39] {strides = array<i32>} : memref<8192xi32, #tpu.memory_space<vmem>>, vector<16xi32>,
    %swap3A_41 = arith.constant 16 : index
    %swap3A_42 = tpu.vector_load %arg6[%swap3A_41] {strides = array<i32>} : memref<64xi32, #tpu.memory_space<vmem>>, vector<16xi32>,
    tpu.vector_store %arg6[%swap3A_41], %get3A_40 {strides = array<i32>} : memref<64xi32, #tpu.memory_space<vmem>>, vector<16xi32>,
    %get3A_43 = arith.constant 32 : index
    %get3A_44 = tpu.vector_load %arg5[%get3A_43] {strides = array<i32>} : memref<8192xi32, #tpu.memory_space<vmem>>, vector<16xi32>,
    %swap3A_45 = arith.constant 32 : index
    %swap3A_46 = tpu.vector_load %arg6[%swap3A_45] {strides = array<i32>} : memref<64xi32, #tpu.memory_space<vmem>>, vector<16xi32>,
    tpu.vector_store %arg6[%swap3A_45], %get3A_44 {strides = array<i32>} : memref<64xi32, #tpu.memory_space<vmem>>, vector<16xi32>,
    %get3A_47 = arith.constant 48 : index
    %get3A_48 = tpu.vector_load %arg5[%get3A_47] {strides = array<i32>} : memref<8192xi32, #tpu.memory_space<vmem>>, vector<16xi32>,
    %swap3A_49 = arith.constant 48 : index
    %swap3A_50 = tpu.vector_load %arg6[%swap3A_49] {strides = array<i32>} : memref<64xi32, #tpu.memory_space<vmem>>, vector<16xi32>,
    tpu.vector_store %arg6[%swap3A_49], %get3A_48 {strides = array<i32>} : memref<64xi32, #tpu.memory_space<vmem>>, vector<16xi32>,
    "tpu.region"() ({
      %run_scoped3A = tpu.sem_alloc : memref<!tpu.dma_semaphore, #tpu.memory_space<semaphore_mem>>
      %dma_start3A = arith.constant 0 : i32
      %dma_start3A_96 = tpu.memref_slice %arg3[%add3A_10, %dma_start3A] : memref<64x64xi32, #tpu.memory_space<hbm>> -> memref<1x64xi32, #tpu.memory_space<hbm>>
      %dma_start3A_97 = tpu.memref_squeeze %dma_start3A_96 : memref<1x64xi32, #tpu.memory_space<hbm>> -> memref<64xi32, #tpu.memory_space<hbm>>
      %dma_start3A_98 = arith.constant 0 : i32
      %dma_start3A_99 = tpu.memref_slice %arg3[%add3A_10, %dma_start3A_98] : memref<64x64xi32, #tpu.memory_space<hbm>> -> memref<1x64xi32, #tpu.memory_space<hbm>>
      %dma_start3A_100 = tpu.memref_squeeze %dma_start3A_99 : memref<1x64xi32, #tpu.memory_space<hbm>> -> memref<64xi32, #tpu.memory_space<hbm>>
      tpu.enqueue_dma source(%arg6 : memref<64xi32, #tpu.memory_space<vmem>>) target(%dma_start3A_100 : memref<64xi32, #tpu.memory_space<hbm>>) target_semaphore(%run_scoped3A : memref<!tpu.dma_semaphore, #tpu.memory_space<semaphore_mem>>)
      %dma_wait3A = arith.constant 0 : i32
      %dma_wait3A_101 = tpu.memref_slice %arg3[%add3A_10, %dma_wait3A] : memref<64x64xi32, #tpu.memory_space<hbm>> -> memref<1x64xi32, #tpu.memory_space<hbm>>
      %dma_wait3A_102 = tpu.memref_squeeze %dma_wait3A_101 : memref<1x64xi32, #tpu.memory_space<hbm>> -> memref<64xi32, #tpu.memory_space<hbm>>
      %dma_wait3A_103 = arith.constant 0 : i32
      %dma_wait3A_104 = tpu.memref_slice %arg3[%add3A_10, %dma_wait3A_103] : memref<64x64xi32, #tpu.memory_space<hbm>> -> memref<1x64xi32, #tpu.memory_space<hbm>>
      %dma_wait3A_105 = tpu.memref_squeeze %dma_wait3A_104 : memref<1x64xi32, #tpu.memory_space<hbm>> -> memref<64xi32, #tpu.memory_space<hbm>>
      tpu.wait_dma2 semaphore(%run_scoped3A : memref<!tpu.dma_semaphore, #tpu.memory_space<semaphore_mem>>) src(%arg6 : memref<64xi32, #tpu.memory_space<vmem>>) dst(%dma_wait3A_105 : memref<64xi32, #tpu.memory_space<hbm>>)
      tpu.yield
    }) : () -> ()
    %add3A_51 = arith.constant 1 : i32
    %add3A_52 = arith.addi %mul3A_8, %add3A_51 : i32
    %parallel_loop3A_53 = arith.constant 0 : i32
    %parallel_loop3A_54 = arith.constant 8192 : i32
    %parallel_loop3A_55 = arith.constant 16 : i32
    scf.for %parallel_loop3A_96 = %parallel_loop3A_53 to %parallel_loop3A_54 step %parallel_loop3A_55  : i32 {
      %parallel_loop3A_97 = arith.index_cast %parallel_loop3A_96 : i32 to index
      %parallel_loop3A_98 = tpu.vector_load %arg5[%parallel_loop3A_97] {strides = array<i32>} : memref<8192xi32, #tpu.memory_space<vmem>>, vector<16xi32>,
      tpu.vector_store %arg5[%parallel_loop3A_97], %broadcast_in_dim3A_6 {strides = array<i32>} : memref<8192xi32, #tpu.memory_space<vmem>>, vector<16xi32>,
    } {sc.loop_unroll_factor = 4 : i64, sc.parallel_access}
    "tpu.region"() ({
      %run_scoped3A = tpu.sem_alloc : memref<!tpu.dma_semaphore, #tpu.memory_space<semaphore_mem>>
      %dma_start3A = arith.constant 0 : i32
      %dma_start3A_96 = tpu.memref_slice %arg2[%add3A_52, %dma_start3A] : memref<64x8192xi32, #tpu.memory_space<hbm>> -> memref<1x8192xi32, #tpu.memory_space<hbm>>
      %dma_start3A_97 = tpu.memref_squeeze %dma_start3A_96 : memref<1x8192xi32, #tpu.memory_space<hbm>> -> memref<8192xi32, #tpu.memory_space<hbm>>
      %dma_start3A_98 = arith.constant 0 : i32
      %dma_start3A_99 = tpu.memref_slice %arg2[%add3A_52, %dma_start3A_98] : memref<64x8192xi32, #tpu.memory_space<hbm>> -> memref<1x8192xi32, #tpu.memory_space<hbm>>
      %dma_start3A_100 = tpu.memref_squeeze %dma_start3A_99 : memref<1x8192xi32, #tpu.memory_space<hbm>> -> memref<8192xi32, #tpu.memory_space<hbm>>
      tpu.enqueue_dma source(%dma_start3A_100 : memref<8192xi32, #tpu.memory_space<hbm>>) target(%arg4 : memref<8192xi32, #tpu.memory_space<vmem>>) target_semaphore(%run_scoped3A : memref<!tpu.dma_semaphore, #tpu.memory_space<semaphore_mem>>)
      %dma_wait3A = arith.constant 0 : i32
      %dma_wait3A_101 = tpu.memref_slice %arg2[%add3A_52, %dma_wait3A] : memref<64x8192xi32, #tpu.memory_space<hbm>> -> memref<1x8192xi32, #tpu.memory_space<hbm>>
      %dma_wait3A_102 = tpu.memref_squeeze %dma_wait3A_101 : memref<1x8192xi32, #tpu.memory_space<hbm>> -> memref<8192xi32, #tpu.memory_space<hbm>>
      %dma_wait3A_103 = arith.constant 0 : i32
      %dma_wait3A_104 = tpu.memref_slice %arg2[%add3A_52, %dma_wait3A_103] : memref<64x8192xi32, #tpu.memory_space<hbm>> -> memref<1x8192xi32, #tpu.memory_space<hbm>>
      %dma_wait3A_105 = tpu.memref_squeeze %dma_wait3A_104 : memref<1x8192xi32, #tpu.memory_space<hbm>> -> memref<8192xi32, #tpu.memory_space<hbm>>
      tpu.wait_dma2 semaphore(%run_scoped3A : memref<!tpu.dma_semaphore, #tpu.memory_space<semaphore_mem>>) src(%dma_wait3A_105 : memref<8192xi32, #tpu.memory_space<hbm>>) dst(%arg4 : memref<8192xi32, #tpu.memory_space<vmem>>)
      tpu.yield
    }) : () -> ()
    %parallel_loop3A_56 = arith.constant 0 : i32
    %parallel_loop3A_57 = arith.constant 512 : i32
    %parallel_loop3A_58 = arith.constant 1 : i32
    scf.for %parallel_loop3A_96 = %parallel_loop3A_56 to %parallel_loop3A_57 step %parallel_loop3A_58  : i32 {
      %parallel_loop3A_97 = arith.constant 16 : i32
      %parallel_loop3A_98 = arith.muli %parallel_loop3A_96, %parallel_loop3A_97 : i32
      %parallel_loop3A_99 = arith.index_cast %parallel_loop3A_98 : i32 to index
      %parallel_loop3A_100 = tpu.vector_load %arg4[%parallel_loop3A_99] {strides = array<i32>} : memref<8192xi32, #tpu.memory_space<vmem>>, vector<16xi32>,
      %parallel_loop3A_101 = arith.constant 7 : i32
      %parallel_loop3A_102 = arith.andi %parallel_loop3A_96, %parallel_loop3A_101 : i32
      %parallel_loop3A_103 = arith.constant 1024 : i32
      %parallel_loop3A_104 = arith.muli %parallel_loop3A_102, %parallel_loop3A_103 : i32
      %parallel_loop3A_105 = arith.addi %mul3A_3, %parallel_loop3A_100 : vector<16xi32>
      %parallel_loop3A_106 = vector.broadcast %parallel_loop3A_104 : i32 to vector<16xi32>
      %parallel_loop3A_107 = arith.addi %parallel_loop3A_105, %parallel_loop3A_106 : vector<16xi32>
      tpu.vector_store_idx %arg5[%parallel_loop3A_107], %broadcast_in_dim3A_4 {add = true} : memref<8192xi32, #tpu.memory_space<vmem>>[vector<16xi32>], vector<16xi32>,
    } {sc.loop_unroll_factor = 8 : i64, sc.parallel_access}
    %parallel_loop3A_59 = arith.constant 0 : i32
    %parallel_loop3A_60 = arith.constant 4096 : i32
    %parallel_loop3A_61 = arith.constant 16 : i32
    scf.for %parallel_loop3A_96 = %parallel_loop3A_59 to %parallel_loop3A_60 step %parallel_loop3A_61  : i32 {
      %parallel_loop3A_97 = arith.index_cast %parallel_loop3A_96 : i32 to index
      %parallel_loop3A_98 = tpu.vector_load %arg5[%parallel_loop3A_97] {strides = array<i32>} : memref<8192xi32, #tpu.memory_space<vmem>>, vector<16xi32>,
      %parallel_loop3A_99 = arith.constant 4096 : i32
      %parallel_loop3A_100 = arith.addi %parallel_loop3A_96, %parallel_loop3A_99 : i32
      %parallel_loop3A_101 = arith.index_cast %parallel_loop3A_100 : i32 to index
      %parallel_loop3A_102 = tpu.vector_load %arg5[%parallel_loop3A_101] {strides = array<i32>} : memref<8192xi32, #tpu.memory_space<vmem>>, vector<16xi32>,
      %parallel_loop3A_103 = arith.addi %parallel_loop3A_98, %parallel_loop3A_102 : vector<16xi32>
      %parallel_loop3A_104 = arith.index_cast %parallel_loop3A_96 : i32 to index
      %parallel_loop3A_105 = tpu.vector_load %arg5[%parallel_loop3A_104] {strides = array<i32>} : memref<8192xi32, #tpu.memory_space<vmem>>, vector<16xi32>,
      tpu.vector_store %arg5[%parallel_loop3A_104], %parallel_loop3A_103 {strides = array<i32>} : memref<8192xi32, #tpu.memory_space<vmem>>, vector<16xi32>,
    } {sc.loop_unroll_factor = 4 : i64, sc.parallel_access}
    %parallel_loop3A_62 = arith.constant 0 : i32
    %parallel_loop3A_63 = arith.constant 2048 : i32
    %parallel_loop3A_64 = arith.constant 16 : i32
    scf.for %parallel_loop3A_96 = %parallel_loop3A_62 to %parallel_loop3A_63 step %parallel_loop3A_64  : i32 {
      %parallel_loop3A_97 = arith.index_cast %parallel_loop3A_96 : i32 to index
      %parallel_loop3A_98 = tpu.vector_load %arg5[%parallel_loop3A_97] {strides = array<i32>} : memref<8192xi32, #tpu.memory_space<vmem>>, vector<16xi32>,
      %parallel_loop3A_99 = arith.constant 2048 : i32
      %parallel_loop3A_100 = arith.addi %parallel_loop3A_96, %parallel_loop3A_99 : i32
      %parallel_loop3A_101 = arith.index_cast %parallel_loop3A_100 : i32 to index
      %parallel_loop3A_102 = tpu.vector_load %arg5[%parallel_loop3A_101] {strides = array<i32>} : memref<8192xi32, #tpu.memory_space<vmem>>, vector<16xi32>,
      %parallel_loop3A_103 = arith.addi %parallel_loop3A_98, %parallel_loop3A_102 : vector<16xi32>
      %parallel_loop3A_104 = arith.index_cast %parallel_loop3A_96 : i32 to index
      %parallel_loop3A_105 = tpu.vector_load %arg5[%parallel_loop3A_104] {strides = array<i32>} : memref<8192xi32, #tpu.memory_space<vmem>>, vector<16xi32>,
      tpu.vector_store %arg5[%parallel_loop3A_104], %parallel_loop3A_103 {strides = array<i32>} : memref<8192xi32, #tpu.memory_space<vmem>>, vector<16xi32>,
    } {sc.loop_unroll_factor = 4 : i64, sc.parallel_access}
    %parallel_loop3A_65 = arith.constant 0 : i32
    %parallel_loop3A_66 = arith.constant 1024 : i32
    %parallel_loop3A_67 = arith.constant 16 : i32
    scf.for %parallel_loop3A_96 = %parallel_loop3A_65 to %parallel_loop3A_66 step %parallel_loop3A_67  : i32 {
      %parallel_loop3A_97 = arith.index_cast %parallel_loop3A_96 : i32 to index
      %parallel_loop3A_98 = tpu.vector_load %arg5[%parallel_loop3A_97] {strides = array<i32>} : memref<8192xi32, #tpu.memory_space<vmem>>, vector<16xi32>,
      %parallel_loop3A_99 = arith.constant 1024 : i32
      %parallel_loop3A_100 = arith.addi %parallel_loop3A_96, %parallel_loop3A_99 : i32
      %parallel_loop3A_101 = arith.index_cast %parallel_loop3A_100 : i32 to index
      %parallel_loop3A_102 = tpu.vector_load %arg5[%parallel_loop3A_101] {strides = array<i32>} : memref<8192xi32, #tpu.memory_space<vmem>>, vector<16xi32>,
      %parallel_loop3A_103 = arith.addi %parallel_loop3A_98, %parallel_loop3A_102 : vector<16xi32>
      %parallel_loop3A_104 = arith.index_cast %parallel_loop3A_96 : i32 to index
      %parallel_loop3A_105 = tpu.vector_load %arg5[%parallel_loop3A_104] {strides = array<i32>} : memref<8192xi32, #tpu.memory_space<vmem>>, vector<16xi32>,
      tpu.vector_store %arg5[%parallel_loop3A_104], %parallel_loop3A_103 {strides = array<i32>} : memref<8192xi32, #tpu.memory_space<vmem>>, vector<16xi32>,
    } {sc.loop_unroll_factor = 4 : i64, sc.parallel_access}
    %parallel_loop3A_68 = arith.constant 0 : i32
    %parallel_loop3A_69 = arith.constant 512 : i32
    %parallel_loop3A_70 = arith.constant 16 : i32
    scf.for %parallel_loop3A_96 = %parallel_loop3A_68 to %parallel_loop3A_69 step %parallel_loop3A_70  : i32 {
      %parallel_loop3A_97 = arith.index_cast %parallel_loop3A_96 : i32 to index
      %parallel_loop3A_98 = tpu.vector_load %arg5[%parallel_loop3A_97] {strides = array<i32>} : memref<8192xi32, #tpu.memory_space<vmem>>, vector<16xi32>,
      %parallel_loop3A_99 = arith.constant 512 : i32
      %parallel_loop3A_100 = arith.addi %parallel_loop3A_96, %parallel_loop3A_99 : i32
      %parallel_loop3A_101 = arith.index_cast %parallel_loop3A_100 : i32 to index
      %parallel_loop3A_102 = tpu.vector_load %arg5[%parallel_loop3A_101] {strides = array<i32>} : memref<8192xi32, #tpu.memory_space<vmem>>, vector<16xi32>,
      %parallel_loop3A_103 = arith.addi %parallel_loop3A_98, %parallel_loop3A_102 : vector<16xi32>
      %parallel_loop3A_104 = arith.index_cast %parallel_loop3A_96 : i32 to index
      %parallel_loop3A_105 = tpu.vector_load %arg5[%parallel_loop3A_104] {strides = array<i32>} : memref<8192xi32, #tpu.memory_space<vmem>>, vector<16xi32>,
      tpu.vector_store %arg5[%parallel_loop3A_104], %parallel_loop3A_103 {strides = array<i32>} : memref<8192xi32, #tpu.memory_space<vmem>>, vector<16xi32>,
    } {sc.loop_unroll_factor = 2 : i64, sc.parallel_access}
    %parallel_loop3A_71 = arith.constant 0 : i32
    %parallel_loop3A_72 = arith.constant 256 : i32
    %parallel_loop3A_73 = arith.constant 16 : i32
    scf.for %parallel_loop3A_96 = %parallel_loop3A_71 to %parallel_loop3A_72 step %parallel_loop3A_73  : i32 {
      %parallel_loop3A_97 = arith.index_cast %parallel_loop3A_96 : i32 to index
      %parallel_loop3A_98 = tpu.vector_load %arg5[%parallel_loop3A_97] {strides = array<i32>} : memref<8192xi32, #tpu.memory_space<vmem>>, vector<16xi32>,
      %parallel_loop3A_99 = arith.constant 256 : i32
      %parallel_loop3A_100 = arith.addi %parallel_loop3A_96, %parallel_loop3A_99 : i32
      %parallel_loop3A_101 = arith.index_cast %parallel_loop3A_100 : i32 to index
      %parallel_loop3A_102 = tpu.vector_load %arg5[%parallel_loop3A_101] {strides = array<i32>} : memref<8192xi32, #tpu.memory_space<vmem>>, vector<16xi32>,
      %parallel_loop3A_103 = arith.addi %parallel_loop3A_98, %parallel_loop3A_102 : vector<16xi32>
      %parallel_loop3A_104 = arith.index_cast %parallel_loop3A_96 : i32 to index
      %parallel_loop3A_105 = tpu.vector_load %arg5[%parallel_loop3A_104] {strides = array<i32>} : memref<8192xi32, #tpu.memory_space<vmem>>, vector<16xi32>,
      tpu.vector_store %arg5[%parallel_loop3A_104], %parallel_loop3A_103 {strides = array<i32>} : memref<8192xi32, #tpu.memory_space<vmem>>, vector<16xi32>,
    } {sc.loop_unroll_factor = 2 : i64, sc.parallel_access}
    %parallel_loop3A_74 = arith.constant 0 : i32
    %parallel_loop3A_75 = arith.constant 128 : i32
    %parallel_loop3A_76 = arith.constant 16 : i32
    scf.for %parallel_loop3A_96 = %parallel_loop3A_74 to %parallel_loop3A_75 step %parallel_loop3A_76  : i32 {
      %parallel_loop3A_97 = arith.index_cast %parallel_loop3A_96 : i32 to index
      %parallel_loop3A_98 = tpu.vector_load %arg5[%parallel_loop3A_97] {strides = array<i32>} : memref<8192xi32, #tpu.memory_space<vmem>>, vector<16xi32>,
      %parallel_loop3A_99 = arith.constant 128 : i32
      %parallel_loop3A_100 = arith.addi %parallel_loop3A_96, %parallel_loop3A_99 : i32
      %parallel_loop3A_101 = arith.index_cast %parallel_loop3A_100 : i32 to index
      %parallel_loop3A_102 = tpu.vector_load %arg5[%parallel_loop3A_101] {strides = array<i32>} : memref<8192xi32, #tpu.memory_space<vmem>>, vector<16xi32>,
      %parallel_loop3A_103 = arith.addi %parallel_loop3A_98, %parallel_loop3A_102 : vector<16xi32>
      %parallel_loop3A_104 = arith.index_cast %parallel_loop3A_96 : i32 to index
      %parallel_loop3A_105 = tpu.vector_load %arg5[%parallel_loop3A_104] {strides = array<i32>} : memref<8192xi32, #tpu.memory_space<vmem>>, vector<16xi32>,
      tpu.vector_store %arg5[%parallel_loop3A_104], %parallel_loop3A_103 {strides = array<i32>} : memref<8192xi32, #tpu.memory_space<vmem>>, vector<16xi32>,
    } {sc.loop_unroll_factor = 2 : i64, sc.parallel_access}
    %parallel_loop3A_77 = arith.constant 0 : i32
    %parallel_loop3A_78 = arith.constant 64 : i32
    %parallel_loop3A_79 = arith.constant 16 : i32
    scf.for %parallel_loop3A_96 = %parallel_loop3A_77 to %parallel_loop3A_78 step %parallel_loop3A_79  : i32 {
      %parallel_loop3A_97 = arith.index_cast %parallel_loop3A_96 : i32 to index
      %parallel_loop3A_98 = tpu.vector_load %arg5[%parallel_loop3A_97] {strides = array<i32>} : memref<8192xi32, #tpu.memory_space<vmem>>, vector<16xi32>,
      %parallel_loop3A_99 = arith.constant 64 : i32
      %parallel_loop3A_100 = arith.addi %parallel_loop3A_96, %parallel_loop3A_99 : i32
      %parallel_loop3A_101 = arith.index_cast %parallel_loop3A_100 : i32 to index
      %parallel_loop3A_102 = tpu.vector_load %arg5[%parallel_loop3A_101] {strides = array<i32>} : memref<8192xi32, #tpu.memory_space<vmem>>, vector<16xi32>,
      %parallel_loop3A_103 = arith.addi %parallel_loop3A_98, %parallel_loop3A_102 : vector<16xi32>
      %parallel_loop3A_104 = arith.index_cast %parallel_loop3A_96 : i32 to index
      %parallel_loop3A_105 = tpu.vector_load %arg5[%parallel_loop3A_104] {strides = array<i32>} : memref<8192xi32, #tpu.memory_space<vmem>>, vector<16xi32>,
      tpu.vector_store %arg5[%parallel_loop3A_104], %parallel_loop3A_103 {strides = array<i32>} : memref<8192xi32, #tpu.memory_space<vmem>>, vector<16xi32>,
    } {sc.loop_unroll_factor = 2 : i64, sc.parallel_access}
    %get3A_80 = arith.constant 0 : index
    %get3A_81 = tpu.vector_load %arg5[%get3A_80] {strides = array<i32>} : memref<8192xi32, #tpu.memory_space<vmem>>, vector<16xi32>,
    %swap3A_82 = arith.constant 0 : index
    %swap3A_83 = tpu.vector_load %arg6[%swap3A_82] {strides = array<i32>} : memref<64xi32, #tpu.memory_space<vmem>>, vector<16xi32>,
    tpu.vector_store %arg6[%swap3A_82], %get3A_81 {strides = array<i32>} : memref<64xi32, #tpu.memory_space<vmem>>, vector<16xi32>,
    %get3A_84 = arith.constant 16 : index
    %get3A_85 = tpu.vector_load %arg5[%get3A_84] {strides = array<i32>} : memref<8192xi32, #tpu.memory_space<vmem>>, vector<16xi32>,
    %swap3A_86 = arith.constant 16 : index
    %swap3A_87 = tpu.vector_load %arg6[%swap3A_86] {strides = array<i32>} : memref<64xi32, #tpu.memory_space<vmem>>, vector<16xi32>,
    tpu.vector_store %arg6[%swap3A_86], %get3A_85 {strides = array<i32>} : memref<64xi32, #tpu.memory_space<vmem>>, vector<16xi32>,
    %get3A_88 = arith.constant 32 : index
    %get3A_89 = tpu.vector_load %arg5[%get3A_88] {strides = array<i32>} : memref<8192xi32, #tpu.memory_space<vmem>>, vector<16xi32>,
    %swap3A_90 = arith.constant 32 : index
    %swap3A_91 = tpu.vector_load %arg6[%swap3A_90] {strides = array<i32>} : memref<64xi32, #tpu.memory_space<vmem>>, vector<16xi32>,
    tpu.vector_store %arg6[%swap3A_90], %get3A_89 {strides = array<i32>} : memref<64xi32, #tpu.memory_space<vmem>>, vector<16xi32>,
    %get3A_92 = arith.constant 48 : index
    %get3A_93 = tpu.vector_load %arg5[%get3A_92] {strides = array<i32>} : memref<8192xi32, #tpu.memory_space<vmem>>, vector<16xi32>,
    %swap3A_94 = arith.constant 48 : index
    %swap3A_95 = tpu.vector_load %arg6[%swap3A_94] {strides = array<i32>} : memref<64xi32, #tpu.memory_space<vmem>>, vector<16xi32>,
    tpu.vector_store %arg6[%swap3A_94], %get3A_93 {strides = array<i32>} : memref<64xi32, #tpu.memory_space<vmem>>, vector<16xi32>,
    "tpu.region"() ({
      %run_scoped3A = tpu.sem_alloc : memref<!tpu.dma_semaphore, #tpu.memory_space<semaphore_mem>>
      %dma_start3A = arith.constant 0 : i32
      %dma_start3A_96 = tpu.memref_slice %arg3[%add3A_52, %dma_start3A] : memref<64x64xi32, #tpu.memory_space<hbm>> -> memref<1x64xi32, #tpu.memory_space<hbm>>
      %dma_start3A_97 = tpu.memref_squeeze %dma_start3A_96 : memref<1x64xi32, #tpu.memory_space<hbm>> -> memref<64xi32, #tpu.memory_space<hbm>>
      %dma_start3A_98 = arith.constant 0 : i32
      %dma_start3A_99 = tpu.memref_slice %arg3[%add3A_52, %dma_start3A_98] : memref<64x64xi32, #tpu.memory_space<hbm>> -> memref<1x64xi32, #tpu.memory_space<hbm>>
      %dma_start3A_100 = tpu.memref_squeeze %dma_start3A_99 : memref<1x64xi32, #tpu.memory_space<hbm>> -> memref<64xi32, #tpu.memory_space<hbm>>
      tpu.enqueue_dma source(%arg6 : memref<64xi32, #tpu.memory_space<vmem>>) target(%dma_start3A_100 : memref<64xi32, #tpu.memory_space<hbm>>) target_semaphore(%run_scoped3A : memref<!tpu.dma_semaphore, #tpu.memory_space<semaphore_mem>>)
      %dma_wait3A = arith.constant 0 : i32
      %dma_wait3A_101 = tpu.memref_slice %arg3[%add3A_52, %dma_wait3A] : memref<64x64xi32, #tpu.memory_space<hbm>> -> memref<1x64xi32, #tpu.memory_space<hbm>>
      %dma_wait3A_102 = tpu.memref_squeeze %dma_wait3A_101 : memref<1x64xi32, #tpu.memory_space<hbm>> -> memref<64xi32, #tpu.memory_space<hbm>>
      %dma_wait3A_103 = arith.constant 0 : i32
      %dma_wait3A_104 = tpu.memref_slice %arg3[%add3A_52, %dma_wait3A_103] : memref<64x64xi32, #tpu.memory_space<hbm>> -> memref<1x64xi32, #tpu.memory_space<hbm>>
      %dma_wait3A_105 = tpu.memref_squeeze %dma_wait3A_104 : memref<1x64xi32, #tpu.memory_space<hbm>> -> memref<64xi32, #tpu.memory_space<hbm>>
      tpu.wait_dma2 semaphore(%run_scoped3A : memref<!tpu.dma_semaphore, #tpu.memory_space<semaphore_mem>>) src(%arg6 : memref<64xi32, #tpu.memory_space<vmem>>) dst(%dma_wait3A_105 : memref<64xi32, #tpu.memory_space<hbm>>)
      tpu.yield
    }) : () -> ()
    return
  }
}

module attributes {stable_mosaic.version = 14 : i64} {
  func.func @_tc_tail_body(%arg0: i32, %arg1: memref<64x64xi32, #tpu.memory_space<vmem>>, %arg2: memref<64x128xi32, #tpu.memory_space<vmem>>, %arg3: memref<64x64xf32, #tpu.memory_space<vmem>>, %arg4: memref<128x64xf32, #tpu.memory_space<vmem>>, %arg5: memref<1x128xf32, #tpu.memory_space<vmem>>, %arg6: memref<64x128xf32, #tpu.memory_space<vmem>>, %arg7: memref<1x64xf32, #tpu.memory_space<vmem>>, %arg8: memref<1x64xf32, #tpu.memory_space<vmem>>, %arg9: memref<1x64xf32, #tpu.memory_space<vmem>>, %arg10: memref<1x64xf32, #tpu.memory_space<vmem>>, %arg11: memref<1x1xf32, #tpu.memory_space<vmem>>, %arg12: memref<64x64xf32, #tpu.memory_space<vmem>>, %arg13: memref<1x64xf32, #tpu.memory_space<vmem>>, %arg14: memref<64x64xf32, #tpu.memory_space<vmem>>, %arg15: memref<1x64xf32, #tpu.memory_space<vmem>>, %arg16: memref<64x64xf32, #tpu.memory_space<vmem>>, %arg17: memref<64x8x64xf32, #tpu.memory_space<vmem>>) attributes {dimension_semantics = [#tpu.dimension_semantics<arbitrary>], iteration_bounds = array<i64: 1>, scalar_prefetch = 0 : i64, scratch_operands = 0 : i64, tpu.core_type = #tpu.core_type<tc>, window_params = [{pipeline_mode = #tpu.pipeline_mode<synchronous>, transform_indices = @transform_0, window_bounds = array<i64: 64, 64>}, {transform_indices = @transform_1, window_bounds = array<i64: 64, 128>}, {pipeline_mode = #tpu.pipeline_mode<synchronous>, transform_indices = @transform_2, window_bounds = array<i64: 64, 64>}, {pipeline_mode = #tpu.pipeline_mode<synchronous>, transform_indices = @transform_3, window_bounds = array<i64: 128, 64>}, {pipeline_mode = #tpu.pipeline_mode<synchronous>, transform_indices = @transform_4, window_bounds = array<i64: 1, 128>}, {pipeline_mode = #tpu.pipeline_mode<synchronous>, transform_indices = @transform_5, window_bounds = array<i64: 64, 128>}, {pipeline_mode = #tpu.pipeline_mode<synchronous>, transform_indices = @transform_6, window_bounds = array<i64: 1, 64>}, {pipeline_mode = #tpu.pipeline_mode<synchronous>, transform_indices = @transform_7, window_bounds = array<i64: 1, 64>}, {pipeline_mode = #tpu.pipeline_mode<synchronous>, transform_indices = @transform_8, window_bounds = array<i64: 1, 64>}, {pipeline_mode = #tpu.pipeline_mode<synchronous>, transform_indices = @transform_9, window_bounds = array<i64: 1, 64>}, {pipeline_mode = #tpu.pipeline_mode<synchronous>, transform_indices = @transform_10, window_bounds = array<i64: 1, 1>}, {pipeline_mode = #tpu.pipeline_mode<synchronous>, transform_indices = @transform_11, window_bounds = array<i64: 64, 64>}, {pipeline_mode = #tpu.pipeline_mode<synchronous>, transform_indices = @transform_12, window_bounds = array<i64: 1, 64>}, {pipeline_mode = #tpu.pipeline_mode<synchronous>, transform_indices = @transform_13, window_bounds = array<i64: 64, 64>}, {pipeline_mode = #tpu.pipeline_mode<synchronous>, transform_indices = @transform_14, window_bounds = array<i64: 1, 64>}, {pipeline_mode = #tpu.pipeline_mode<synchronous>, transform_indices = @transform_15, window_bounds = array<i64: 64, 64>}, {pipeline_mode = #tpu.pipeline_mode<synchronous>, transform_indices = @transform_16, window_bounds = array<i64: 64, 8, 64>}]} {
    %get3A = arith.constant 0 : index
    %get3A_0 = arith.constant 0 : index
    %get3A_1 = vector.load %arg1[%get3A, %get3A_0] : memref<64x64xi32, #tpu.memory_space<vmem>>, vector<64x64xi32>
    %convert_element_type3A = arith.sitofp %get3A_1 : vector<64x64xi32> to vector<64x64xf32>
    %get3A_2 = arith.constant 0 : index
    %get3A_3 = arith.constant 0 : index
    %get3A_4 = vector.load %arg3[%get3A_2, %get3A_3] : memref<64x64xf32, #tpu.memory_space<vmem>>, vector<64x64xf32>
    %get3A_5 = arith.constant 0 : index
    %get3A_6 = arith.constant 0 : index
    %get3A_7 = vector.load %arg4[%get3A_5, %get3A_6] : memref<128x64xf32, #tpu.memory_space<vmem>>, vector<128x64xf32>
    %dot_general3A = arith.constant dense<0.000000e+00> : vector<64x128xf32>
    %dot_general3A_8 = tpu.matmul %get3A_4, %get3A_7, %dot_general3A {dimension_numbers = #tpu.dot_dimension_numbers<[1], [1], [0], [0], [0, 0, 1, 0], [], []>, transpose_lhs_hint = false} : vector<64x64xf32>, vector<128x64xf32>, vector<64x128xf32> -> vector<64x128xf32>
    %get3A_9 = arith.constant 0 : index
    %get3A_10 = arith.constant 0 : index
    %get3A_11 = vector.load %arg5[%get3A_9, %get3A_10] : memref<1x128xf32, #tpu.memory_space<vmem>>, vector<1x128xf32>
    %add3A = vector.broadcast %get3A_11 : vector<1x128xf32> to vector<64x128xf32>
    %add3A_12 = arith.addf %dot_general3A_8, %add3A : vector<64x128xf32>
    %max3A = arith.constant 0.000000e+00 : f32
    %max3A_13 = vector.broadcast %max3A : f32 to vector<64x128xf32>
    %max3A_14 = arith.maximumf %add3A_12, %max3A_13 : vector<64x128xf32>
    %get3A_15 = arith.constant 0 : index
    %get3A_16 = arith.constant 0 : index
    %get3A_17 = vector.load %arg6[%get3A_15, %get3A_16] : memref<64x128xf32, #tpu.memory_space<vmem>>, vector<64x128xf32>
    %dot_general3A_18 = arith.constant dense<0.000000e+00> : vector<64x64xf32>
    %dot_general3A_19 = tpu.matmul %max3A_14, %get3A_17, %dot_general3A_18 {dimension_numbers = #tpu.dot_dimension_numbers<[1], [1], [0], [0], [0, 0, 1, 0], [], []>, transpose_lhs_hint = false} : vector<64x128xf32>, vector<64x128xf32>, vector<64x64xf32> -> vector<64x64xf32>
    %get3A_20 = arith.constant 0 : index
    %get3A_21 = arith.constant 0 : index
    %get3A_22 = vector.load %arg7[%get3A_20, %get3A_21] : memref<1x64xf32, #tpu.memory_space<vmem>>, vector<1x64xf32>
    %add3A_23 = vector.broadcast %get3A_22 : vector<1x64xf32> to vector<64x64xf32>
    %add3A_24 = arith.addf %dot_general3A_19, %add3A_23 : vector<64x64xf32>
    %add3A_25 = arith.addf %get3A_4, %add3A_24 : vector<64x64xf32>
    %reduce_sum3A = arith.constant dense<0.000000e+00> : vector<64xf32>
    %reduce_sum3A_26 = vector.multi_reduction <add>, %add3A_25, %reduce_sum3A [1] : vector<64x64xf32> to vector<64xf32>
    %broadcast_in_dim3A = vector.shape_cast %reduce_sum3A_26 : vector<64xf32> to vector<64x1xf32>
    %div3A = arith.constant 6.400000e+01 : f32
    %div3A_27 = vector.broadcast %div3A : f32 to vector<64x1xf32>
    %div3A_28 = arith.divf %broadcast_in_dim3A, %div3A_27 : vector<64x1xf32>
    %sub3A = vector.broadcast %div3A_28 : vector<64x1xf32> to vector<64x64xf32>
    %sub3A_29 = arith.subf %add3A_25, %sub3A : vector<64x64xf32>
    %integer_pow3A = arith.mulf %sub3A_29, %sub3A_29 : vector<64x64xf32>
    %reduce_sum3A_30 = arith.constant dense<0.000000e+00> : vector<64xf32>
    %reduce_sum3A_31 = vector.multi_reduction <add>, %integer_pow3A, %reduce_sum3A_30 [1] : vector<64x64xf32> to vector<64xf32>
    %broadcast_in_dim3A_32 = vector.shape_cast %reduce_sum3A_31 : vector<64xf32> to vector<64x1xf32>
    %div3A_33 = arith.constant 6.400000e+01 : f32
    %div3A_34 = vector.broadcast %div3A_33 : f32 to vector<64x1xf32>
    %div3A_35 = arith.divf %broadcast_in_dim3A_32, %div3A_34 : vector<64x1xf32>
    %sub3A_36 = vector.broadcast %div3A_28 : vector<64x1xf32> to vector<64x64xf32>
    %sub3A_37 = arith.subf %add3A_25, %sub3A_36 : vector<64x64xf32>
    %add3A_38 = arith.constant 9.99999974E-6 : f32
    %add3A_39 = vector.broadcast %add3A_38 : f32 to vector<64x1xf32>
    %add3A_40 = arith.addf %div3A_35, %add3A_39 : vector<64x1xf32>
    %sqrt3A = math.sqrt %add3A_40 : vector<64x1xf32>
    %div3A_41 = vector.broadcast %sqrt3A : vector<64x1xf32> to vector<64x64xf32>
    %div3A_42 = arith.divf %sub3A_37, %div3A_41 : vector<64x64xf32>
    %get3A_43 = arith.constant 0 : index
    %get3A_44 = arith.constant 0 : index
    %get3A_45 = vector.load %arg8[%get3A_43, %get3A_44] : memref<1x64xf32, #tpu.memory_space<vmem>>, vector<1x64xf32>
    %mul3A = vector.broadcast %get3A_45 : vector<1x64xf32> to vector<64x64xf32>
    %mul3A_46 = arith.mulf %div3A_42, %mul3A : vector<64x64xf32>
    %get3A_47 = arith.constant 0 : index
    %get3A_48 = arith.constant 0 : index
    %get3A_49 = vector.load %arg9[%get3A_47, %get3A_48] : memref<1x64xf32, #tpu.memory_space<vmem>>, vector<1x64xf32>
    %add3A_50 = vector.broadcast %get3A_49 : vector<1x64xf32> to vector<64x64xf32>
    %add3A_51 = arith.addf %mul3A_46, %add3A_50 : vector<64x64xf32>
    %get3A_52 = arith.constant 0 : index
    %get3A_53 = arith.constant 0 : index
    %get3A_54 = vector.load %arg10[%get3A_52, %get3A_53] : memref<1x64xf32, #tpu.memory_space<vmem>>, vector<1x64xf32>
    %broadcast_in_dim3A_55 = vector.shape_cast %get3A_54 : vector<1x64xf32> to vector<1x64xf32>
    %broadcast_in_dim3A_56 = vector.broadcast %broadcast_in_dim3A_55 : vector<1x64xf32> to vector<8x64xf32>
    %get3A_57 = arith.constant 0 : index
    %get3A_58 = arith.constant 0 : index
    %get3A_59 = vector.load %arg11[%get3A_57, %get3A_58] : memref<1x1xf32, #tpu.memory_space<vmem>>, vector<1x1xf32>
    %get3A_60 = vector.extract %get3A_59[0, 0] : f32 from vector<1x1xf32>
    %dot_general3A_61 = arith.constant dense<0.000000e+00> : vector<64x8xf32>
    %dot_general3A_62 = tpu.matmul %add3A_51, %broadcast_in_dim3A_56, %dot_general3A_61 {dimension_numbers = #tpu.dot_dimension_numbers<[1], [1], [0], [0], [0, 0, 1, 0], [], []>, transpose_lhs_hint = false} : vector<64x64xf32>, vector<8x64xf32>, vector<64x8xf32> -> vector<64x8xf32>
    %add3A_63 = vector.broadcast %get3A_60 : f32 to vector<64x8xf32>
    %add3A_64 = arith.addf %dot_general3A_62, %add3A_63 : vector<64x8xf32>
    %iota3A = tpu.iota {dimensions = array<i32: 1>} : vector<1x64xi32>
    %convert_element_type3A_65 = arith.sitofp %iota3A : vector<1x64xi32> to vector<1x64xf32>
    %iota3A_66 = tpu.iota {dimensions = array<i32: 0>} : vector<64x1xi32>
    %convert_element_type3A_67 = arith.sitofp %iota3A_66 : vector<64x1xi32> to vector<64x1xf32>
    %eq3A = vector.broadcast %convert_element_type3A_67 : vector<64x1xf32> to vector<64x64xf32>
    %eq3A_68 = vector.broadcast %convert_element_type3A_65 : vector<1x64xf32> to vector<64x64xf32>
    %eq3A_69 = arith.cmpf oeq, %eq3A, %eq3A_68 : vector<64x64xf32>
    %jit3A = arith.constant 1.000000e+00 : f32
    %jit3A_70 = arith.constant 0.000000e+00 : f32
    %broadcast_in_dim3A_71 = vector.broadcast %jit3A : f32 to vector<64x64xf32>
    %broadcast_in_dim3A_72 = vector.broadcast %jit3A_70 : f32 to vector<64x64xf32>
    %select_n3A = arith.select %eq3A_69, %broadcast_in_dim3A_71, %broadcast_in_dim3A_72 : vector<64x64xi1>, vector<64x64xf32>
    %slice3A = vector.extract_strided_slice %add3A_64 {offsets = [0, 0], sizes = [64, 1], strides = [1, 1]} : vector<64x8xf32> to vector<64x1xf32>
    %dot_general3A_73 = arith.constant dense<0.000000e+00> : vector<8x64xf32>
    %dot_general3A_74 = tpu.matmul %add3A_64, %select_n3A, %dot_general3A_73 {dimension_numbers = #tpu.dot_dimension_numbers<[0], [0], [1], [1], [0, 1, 1, 1], [], []>, transpose_lhs_hint = false} : vector<64x8xf32>, vector<64x64xf32>, vector<8x64xf32> -> vector<8x64xf32>
    %slice3A_75 = vector.extract_strided_slice %dot_general3A_74 {offsets = [0, 0], sizes = [1, 64], strides = [1, 1]} : vector<8x64xf32> to vector<1x64xf32>
    %gt3A = vector.broadcast %slice3A_75 : vector<1x64xf32> to vector<64x64xf32>
    %gt3A_76 = vector.broadcast %slice3A : vector<64x1xf32> to vector<64x64xf32>
    %gt3A_77 = arith.cmpf ogt, %gt3A, %gt3A_76 : vector<64x64xf32>
    %eq3A_78 = vector.broadcast %slice3A_75 : vector<1x64xf32> to vector<64x64xf32>
    %eq3A_79 = vector.broadcast %slice3A : vector<64x1xf32> to vector<64x64xf32>
    %eq3A_80 = arith.cmpf oeq, %eq3A_78, %eq3A_79 : vector<64x64xf32>
    %lt3A = vector.broadcast %convert_element_type3A_65 : vector<1x64xf32> to vector<64x64xf32>
    %lt3A_81 = vector.broadcast %convert_element_type3A_67 : vector<64x1xf32> to vector<64x64xf32>
    %lt3A_82 = arith.cmpf olt, %lt3A, %lt3A_81 : vector<64x64xf32>
    %and3A = arith.andi %eq3A_80, %lt3A_82 : vector<64x64xi1>
    %or3A = arith.ori %gt3A_77, %and3A : vector<64x64xi1>
    %jit3A_83 = arith.constant 1.000000e+00 : f32
    %jit3A_84 = arith.constant 0.000000e+00 : f32
    %broadcast_in_dim3A_85 = vector.broadcast %jit3A_83 : f32 to vector<64x64xf32>
    %broadcast_in_dim3A_86 = vector.broadcast %jit3A_84 : f32 to vector<64x64xf32>
    %select_n3A_87 = arith.select %or3A, %broadcast_in_dim3A_85, %broadcast_in_dim3A_86 : vector<64x64xi1>, vector<64x64xf32>
    %reduce_sum3A_88 = arith.constant dense<0.000000e+00> : vector<64xf32>
    %reduce_sum3A_89 = vector.multi_reduction <add>, %select_n3A_87, %reduce_sum3A_88 [1] : vector<64x64xf32> to vector<64xf32>
    %broadcast_in_dim3A_90 = vector.shape_cast %reduce_sum3A_89 : vector<64xf32> to vector<64x1xf32>
    %broadcast_in_dim3A_91 = arith.constant 1.000000e+00 : f32
    %broadcast_in_dim3A_92 = vector.broadcast %broadcast_in_dim3A_91 : f32 to vector<1x8xf32>
    %mul3A_93 = vector.broadcast %broadcast_in_dim3A_90 : vector<64x1xf32> to vector<64x8xf32>
    %mul3A_94 = vector.broadcast %broadcast_in_dim3A_92 : vector<1x8xf32> to vector<64x8xf32>
    %mul3A_95 = arith.mulf %mul3A_93, %mul3A_94 : vector<64x8xf32>
    %dot_general3A_96 = arith.constant dense<0.000000e+00> : vector<8x64xf32>
    %dot_general3A_97 = tpu.matmul %mul3A_95, %select_n3A, %dot_general3A_96 {dimension_numbers = #tpu.dot_dimension_numbers<[0], [0], [1], [1], [0, 1, 1, 1], [], []>, transpose_lhs_hint = false} : vector<64x8xf32>, vector<64x64xf32>, vector<8x64xf32> -> vector<8x64xf32>
    %slice3A_98 = vector.extract_strided_slice %dot_general3A_97 {offsets = [0, 0], sizes = [1, 64], strides = [1, 1]} : vector<8x64xf32> to vector<1x64xf32>
    %eq3A_99 = vector.broadcast %broadcast_in_dim3A_90 : vector<64x1xf32> to vector<64x64xf32>
    %eq3A_100 = vector.broadcast %convert_element_type3A_65 : vector<1x64xf32> to vector<64x64xf32>
    %eq3A_101 = arith.cmpf oeq, %eq3A_99, %eq3A_100 : vector<64x64xf32>
    %jit3A_102 = arith.constant 1.000000e+00 : f32
    %jit3A_103 = arith.constant 0.000000e+00 : f32
    %broadcast_in_dim3A_104 = vector.broadcast %jit3A_102 : f32 to vector<64x64xf32>
    %broadcast_in_dim3A_105 = vector.broadcast %jit3A_103 : f32 to vector<64x64xf32>
    %select_n3A_106 = arith.select %eq3A_101, %broadcast_in_dim3A_104, %broadcast_in_dim3A_105 : vector<64x64xi1>, vector<64x64xf32>
    %eq3A_107 = vector.broadcast %convert_element_type3A_67 : vector<64x1xf32> to vector<64x64xf32>
    %eq3A_108 = vector.broadcast %slice3A_98 : vector<1x64xf32> to vector<64x64xf32>
    %eq3A_109 = arith.cmpf oeq, %eq3A_107, %eq3A_108 : vector<64x64xf32>
    %jit3A_110 = arith.constant 1.000000e+00 : f32
    %jit3A_111 = arith.constant 0.000000e+00 : f32
    %broadcast_in_dim3A_112 = vector.broadcast %jit3A_110 : f32 to vector<64x64xf32>
    %broadcast_in_dim3A_113 = vector.broadcast %jit3A_111 : f32 to vector<64x64xf32>
    %select_n3A_114 = arith.select %eq3A_109, %broadcast_in_dim3A_112, %broadcast_in_dim3A_113 : vector<64x64xi1>, vector<64x64xf32>
    %dot_general3A_115 = arith.constant dense<0.000000e+00> : vector<64x64xf32>
    %dot_general3A_116 = tpu.matmul %convert_element_type3A, %select_n3A_106, %dot_general3A_115 {dimension_numbers = #tpu.dot_dimension_numbers<[1], [0], [0], [1], [0, 0, 1, 1], [], []>, transpose_lhs_hint = false} : vector<64x64xf32>, vector<64x64xf32>, vector<64x64xf32> -> vector<64x64xf32>
    %dot_general3A_117 = arith.constant dense<0.000000e+00> : vector<64x64xf32>
    %dot_general3A_118 = tpu.matmul %select_n3A_114, %add3A_51, %dot_general3A_117 {dimension_numbers = #tpu.dot_dimension_numbers<[1], [0], [0], [1], [0, 0, 1, 1], [], []>, transpose_lhs_hint = false} : vector<64x64xf32>, vector<64x64xf32>, vector<64x64xf32> -> vector<64x64xf32>
    %lt3A_119 = vector.broadcast %convert_element_type3A_67 : vector<64x1xf32> to vector<64x64xf32>
    %lt3A_120 = vector.broadcast %convert_element_type3A_65 : vector<1x64xf32> to vector<64x64xf32>
    %lt3A_121 = arith.cmpf olt, %lt3A_119, %lt3A_120 : vector<64x64xf32>
    %jit3A_122 = arith.constant 1.000000e+00 : f32
    %jit3A_123 = arith.constant 0.000000e+00 : f32
    %broadcast_in_dim3A_124 = vector.broadcast %jit3A_122 : f32 to vector<64x64xf32>
    %broadcast_in_dim3A_125 = vector.broadcast %jit3A_123 : f32 to vector<64x64xf32>
    %select_n3A_126 = arith.select %lt3A_121, %broadcast_in_dim3A_124, %broadcast_in_dim3A_125 : vector<64x64xi1>, vector<64x64xf32>
    %dot_general3A_127 = arith.constant dense<0.000000e+00> : vector<64x64xf32>
    %dot_general3A_128 = tpu.matmul %dot_general3A_116, %select_n3A_126, %dot_general3A_127 {dimension_numbers = #tpu.dot_dimension_numbers<[1], [0], [0], [1], [0, 0, 1, 1], [], []>, transpose_lhs_hint = false} : vector<64x64xf32>, vector<64x64xf32>, vector<64x64xf32> -> vector<64x64xf32>
    %add3A_129 = arith.addf %dot_general3A_128, %dot_general3A_116 : vector<64x64xf32>
    %get3A_130 = arith.constant 0 : index
    %get3A_131 = arith.constant 127 : index
    %get3A_132 = vector.load %arg2[%get3A_130, %get3A_131] : memref<64x128xi32, #tpu.memory_space<vmem>>, vector<64x1xi32>
    %iota3A_133 = tpu.iota {dimensions = array<i32: 1>} : vector<1x64xi32>
    %eq3A_134 = vector.broadcast %get3A_132 : vector<64x1xi32> to vector<64x64xi32>
    %eq3A_135 = vector.broadcast %iota3A_133 : vector<1x64xi32> to vector<64x64xi32>
    %eq3A_136 = arith.cmpi eq, %eq3A_134, %eq3A_135 : vector<64x64xi32>
    %jit3A_137 = arith.constant 1.000000e+00 : f32
    %jit3A_138 = arith.constant 0.000000e+00 : f32
    %broadcast_in_dim3A_139 = vector.broadcast %jit3A_137 : f32 to vector<64x64xf32>
    %broadcast_in_dim3A_140 = vector.broadcast %jit3A_138 : f32 to vector<64x64xf32>
    %select_n3A_141 = arith.select %eq3A_136, %broadcast_in_dim3A_139, %broadcast_in_dim3A_140 : vector<64x64xi1>, vector<64x64xf32>
    %dot_general3A_142 = arith.constant dense<0.000000e+00> : vector<64x64xf32>
    %dot_general3A_143 = tpu.matmul %select_n3A_141, %add3A_51, %dot_general3A_142 {dimension_numbers = #tpu.dot_dimension_numbers<[1], [0], [0], [1], [0, 0, 1, 1], [], []>, transpose_lhs_hint = false} : vector<64x64xf32>, vector<64x64xf32>, vector<64x64xf32> -> vector<64x64xf32>
    %get3A_144 = arith.constant 0 : index
    %get3A_145 = arith.constant 0 : index
    %get3A_146 = vector.load %arg12[%get3A_144, %get3A_145] : memref<64x64xf32, #tpu.memory_space<vmem>>, vector<64x64xf32>
    %dot_general3A_147 = arith.constant dense<0.000000e+00> : vector<64x64xf32>
    %dot_general3A_148 = tpu.matmul %dot_general3A_143, %get3A_146, %dot_general3A_147 {dimension_numbers = #tpu.dot_dimension_numbers<[1], [1], [0], [0], [0, 0, 1, 0], [], []>, transpose_lhs_hint = false} : vector<64x64xf32>, vector<64x64xf32>, vector<64x64xf32> -> vector<64x64xf32>
    %get3A_149 = arith.constant 0 : index
    %get3A_150 = arith.constant 0 : index
    %get3A_151 = vector.load %arg13[%get3A_149, %get3A_150] : memref<1x64xf32, #tpu.memory_space<vmem>>, vector<1x64xf32>
    %add3A_152 = vector.broadcast %get3A_151 : vector<1x64xf32> to vector<64x64xf32>
    %add3A_153 = arith.addf %dot_general3A_148, %add3A_152 : vector<64x64xf32>
    %le3A = arith.constant 0.000000e+00 : f32
    %le3A_154 = vector.broadcast %le3A : f32 to vector<64x64xf32>
    %le3A_155 = arith.cmpf ole, %dot_general3A_128, %le3A_154 : vector<64x64xf32>
    %lt3A_156 = arith.constant 0.000000e+00 : f32
    %lt3A_157 = vector.broadcast %lt3A_156 : f32 to vector<64x64xf32>
    %lt3A_158 = arith.cmpf olt, %lt3A_157, %add3A_129 : vector<64x64xf32>
    %and3A_159 = arith.andi %le3A_155, %lt3A_158 : vector<64x64xi1>
    %jit3A_160 = arith.constant 1.000000e+00 : f32
    %jit3A_161 = arith.constant 0.000000e+00 : f32
    %broadcast_in_dim3A_162 = vector.broadcast %jit3A_160 : f32 to vector<64x64xf32>
    %broadcast_in_dim3A_163 = vector.broadcast %jit3A_161 : f32 to vector<64x64xf32>
    %select_n3A_164 = arith.select %and3A_159, %broadcast_in_dim3A_162, %broadcast_in_dim3A_163 : vector<64x64xi1>, vector<64x64xf32>
    %dot_general3A_165 = arith.constant dense<0.000000e+00> : vector<64x64xf32>
    %dot_general3A_166 = tpu.matmul %select_n3A_164, %dot_general3A_118, %dot_general3A_165 {dimension_numbers = #tpu.dot_dimension_numbers<[1], [0], [0], [1], [0, 0, 1, 1], [], []>, transpose_lhs_hint = false} : vector<64x64xf32>, vector<64x64xf32>, vector<64x64xf32> -> vector<64x64xf32>
    %swap3A = arith.constant 0 : index
    %swap3A_167 = arith.constant 0 : index
    %swap3A_168 = arith.constant 0 : index
    %swap3A_169 = vector.load %arg17[%swap3A, %swap3A_167, %swap3A_168] : memref<64x8x64xf32, #tpu.memory_space<vmem>>, vector<64x1x64xf32>
    %swap3A_170 = vector.shape_cast %swap3A_169 : vector<64x1x64xf32> to vector<64x64xf32>
    %swap3A_171 = vector.shape_cast %dot_general3A_166 : vector<64x64xf32> to vector<64x1x64xf32>
    tpu.vector_store %arg17[%swap3A, %swap3A_167, %swap3A_168], %swap3A_171 {strides = array<i32>} : memref<64x8x64xf32, #tpu.memory_space<vmem>>, vector<64x1x64xf32>,
    %mul3A_172 = arith.mulf %dot_general3A_166, %add3A_153 : vector<64x64xf32>
    %reduce_sum3A_173 = arith.constant dense<0.000000e+00> : vector<64xf32>
    %reduce_sum3A_174 = vector.multi_reduction <add>, %mul3A_172, %reduce_sum3A_173 [1] : vector<64x64xf32> to vector<64xf32>
    %broadcast_in_dim3A_175 = vector.shape_cast %reduce_sum3A_174 : vector<64xf32> to vector<64x1xf32>
    %mul3A_176 = arith.constant 1.250000e-01 : f32
    %mul3A_177 = vector.broadcast %mul3A_176 : f32 to vector<64x1xf32>
    %mul3A_178 = arith.mulf %broadcast_in_dim3A_175, %mul3A_177 : vector<64x1xf32>
    %le3A_179 = arith.constant 1.000000e+00 : f32
    %le3A_180 = vector.broadcast %le3A_179 : f32 to vector<64x64xf32>
    %le3A_181 = arith.cmpf ole, %dot_general3A_128, %le3A_180 : vector<64x64xf32>
    %lt3A_182 = arith.constant 1.000000e+00 : f32
    %lt3A_183 = vector.broadcast %lt3A_182 : f32 to vector<64x64xf32>
    %lt3A_184 = arith.cmpf olt, %lt3A_183, %add3A_129 : vector<64x64xf32>
    %and3A_185 = arith.andi %le3A_181, %lt3A_184 : vector<64x64xi1>
    %jit3A_186 = arith.constant 1.000000e+00 : f32
    %jit3A_187 = arith.constant 0.000000e+00 : f32
    %broadcast_in_dim3A_188 = vector.broadcast %jit3A_186 : f32 to vector<64x64xf32>
    %broadcast_in_dim3A_189 = vector.broadcast %jit3A_187 : f32 to vector<64x64xf32>
    %select_n3A_190 = arith.select %and3A_185, %broadcast_in_dim3A_188, %broadcast_in_dim3A_189 : vector<64x64xi1>, vector<64x64xf32>
    %dot_general3A_191 = arith.constant dense<0.000000e+00> : vector<64x64xf32>
    %dot_general3A_192 = tpu.matmul %select_n3A_190, %dot_general3A_118, %dot_general3A_191 {dimension_numbers = #tpu.dot_dimension_numbers<[1], [0], [0], [1], [0, 0, 1, 1], [], []>, transpose_lhs_hint = false} : vector<64x64xf32>, vector<64x64xf32>, vector<64x64xf32> -> vector<64x64xf32>
    %swap3A_193 = arith.constant 0 : index
    %swap3A_194 = arith.constant 1 : index
    %swap3A_195 = arith.constant 0 : index
    %swap3A_196 = vector.load %arg17[%swap3A_193, %swap3A_194, %swap3A_195] : memref<64x8x64xf32, #tpu.memory_space<vmem>>, vector<64x1x64xf32>
    %swap3A_197 = vector.shape_cast %swap3A_196 : vector<64x1x64xf32> to vector<64x64xf32>
    %swap3A_198 = vector.shape_cast %dot_general3A_192 : vector<64x64xf32> to vector<64x1x64xf32>
    tpu.vector_store %arg17[%swap3A_193, %swap3A_194, %swap3A_195], %swap3A_198 {strides = array<i32>} : memref<64x8x64xf32, #tpu.memory_space<vmem>>, vector<64x1x64xf32>,
    %mul3A_199 = arith.mulf %dot_general3A_192, %add3A_153 : vector<64x64xf32>
    %reduce_sum3A_200 = arith.constant dense<0.000000e+00> : vector<64xf32>
    %reduce_sum3A_201 = vector.multi_reduction <add>, %mul3A_199, %reduce_sum3A_200 [1] : vector<64x64xf32> to vector<64xf32>
    %broadcast_in_dim3A_202 = vector.shape_cast %reduce_sum3A_201 : vector<64xf32> to vector<64x1xf32>
    %mul3A_203 = arith.constant 1.250000e-01 : f32
    %mul3A_204 = vector.broadcast %mul3A_203 : f32 to vector<64x1xf32>
    %mul3A_205 = arith.mulf %broadcast_in_dim3A_202, %mul3A_204 : vector<64x1xf32>
    %le3A_206 = arith.constant 2.000000e+00 : f32
    %le3A_207 = vector.broadcast %le3A_206 : f32 to vector<64x64xf32>
    %le3A_208 = arith.cmpf ole, %dot_general3A_128, %le3A_207 : vector<64x64xf32>
    %lt3A_209 = arith.constant 2.000000e+00 : f32
    %lt3A_210 = vector.broadcast %lt3A_209 : f32 to vector<64x64xf32>
    %lt3A_211 = arith.cmpf olt, %lt3A_210, %add3A_129 : vector<64x64xf32>
    %and3A_212 = arith.andi %le3A_208, %lt3A_211 : vector<64x64xi1>
    %jit3A_213 = arith.constant 1.000000e+00 : f32
    %jit3A_214 = arith.constant 0.000000e+00 : f32
    %broadcast_in_dim3A_215 = vector.broadcast %jit3A_213 : f32 to vector<64x64xf32>
    %broadcast_in_dim3A_216 = vector.broadcast %jit3A_214 : f32 to vector<64x64xf32>
    %select_n3A_217 = arith.select %and3A_212, %broadcast_in_dim3A_215, %broadcast_in_dim3A_216 : vector<64x64xi1>, vector<64x64xf32>
    %dot_general3A_218 = arith.constant dense<0.000000e+00> : vector<64x64xf32>
    %dot_general3A_219 = tpu.matmul %select_n3A_217, %dot_general3A_118, %dot_general3A_218 {dimension_numbers = #tpu.dot_dimension_numbers<[1], [0], [0], [1], [0, 0, 1, 1], [], []>, transpose_lhs_hint = false} : vector<64x64xf32>, vector<64x64xf32>, vector<64x64xf32> -> vector<64x64xf32>
    %swap3A_220 = arith.constant 0 : index
    %swap3A_221 = arith.constant 2 : index
    %swap3A_222 = arith.constant 0 : index
    %swap3A_223 = vector.load %arg17[%swap3A_220, %swap3A_221, %swap3A_222] : memref<64x8x64xf32, #tpu.memory_space<vmem>>, vector<64x1x64xf32>
    %swap3A_224 = vector.shape_cast %swap3A_223 : vector<64x1x64xf32> to vector<64x64xf32>
    %swap3A_225 = vector.shape_cast %dot_general3A_219 : vector<64x64xf32> to vector<64x1x64xf32>
    tpu.vector_store %arg17[%swap3A_220, %swap3A_221, %swap3A_222], %swap3A_225 {strides = array<i32>} : memref<64x8x64xf32, #tpu.memory_space<vmem>>, vector<64x1x64xf32>,
    %mul3A_226 = arith.mulf %dot_general3A_219, %add3A_153 : vector<64x64xf32>
    %reduce_sum3A_227 = arith.constant dense<0.000000e+00> : vector<64xf32>
    %reduce_sum3A_228 = vector.multi_reduction <add>, %mul3A_226, %reduce_sum3A_227 [1] : vector<64x64xf32> to vector<64xf32>
    %broadcast_in_dim3A_229 = vector.shape_cast %reduce_sum3A_228 : vector<64xf32> to vector<64x1xf32>
    %mul3A_230 = arith.constant 1.250000e-01 : f32
    %mul3A_231 = vector.broadcast %mul3A_230 : f32 to vector<64x1xf32>
    %mul3A_232 = arith.mulf %broadcast_in_dim3A_229, %mul3A_231 : vector<64x1xf32>
    %le3A_233 = arith.constant 3.000000e+00 : f32
    %le3A_234 = vector.broadcast %le3A_233 : f32 to vector<64x64xf32>
    %le3A_235 = arith.cmpf ole, %dot_general3A_128, %le3A_234 : vector<64x64xf32>
    %lt3A_236 = arith.constant 3.000000e+00 : f32
    %lt3A_237 = vector.broadcast %lt3A_236 : f32 to vector<64x64xf32>
    %lt3A_238 = arith.cmpf olt, %lt3A_237, %add3A_129 : vector<64x64xf32>
    %and3A_239 = arith.andi %le3A_235, %lt3A_238 : vector<64x64xi1>
    %jit3A_240 = arith.constant 1.000000e+00 : f32
    %jit3A_241 = arith.constant 0.000000e+00 : f32
    %broadcast_in_dim3A_242 = vector.broadcast %jit3A_240 : f32 to vector<64x64xf32>
    %broadcast_in_dim3A_243 = vector.broadcast %jit3A_241 : f32 to vector<64x64xf32>
    %select_n3A_244 = arith.select %and3A_239, %broadcast_in_dim3A_242, %broadcast_in_dim3A_243 : vector<64x64xi1>, vector<64x64xf32>
    %dot_general3A_245 = arith.constant dense<0.000000e+00> : vector<64x64xf32>
    %dot_general3A_246 = tpu.matmul %select_n3A_244, %dot_general3A_118, %dot_general3A_245 {dimension_numbers = #tpu.dot_dimension_numbers<[1], [0], [0], [1], [0, 0, 1, 1], [], []>, transpose_lhs_hint = false} : vector<64x64xf32>, vector<64x64xf32>, vector<64x64xf32> -> vector<64x64xf32>
    %swap3A_247 = arith.constant 0 : index
    %swap3A_248 = arith.constant 3 : index
    %swap3A_249 = arith.constant 0 : index
    %swap3A_250 = vector.load %arg17[%swap3A_247, %swap3A_248, %swap3A_249] : memref<64x8x64xf32, #tpu.memory_space<vmem>>, vector<64x1x64xf32>
    %swap3A_251 = vector.shape_cast %swap3A_250 : vector<64x1x64xf32> to vector<64x64xf32>
    %swap3A_252 = vector.shape_cast %dot_general3A_246 : vector<64x64xf32> to vector<64x1x64xf32>
    tpu.vector_store %arg17[%swap3A_247, %swap3A_248, %swap3A_249], %swap3A_252 {strides = array<i32>} : memref<64x8x64xf32, #tpu.memory_space<vmem>>, vector<64x1x64xf32>,
    %mul3A_253 = arith.mulf %dot_general3A_246, %add3A_153 : vector<64x64xf32>
    %reduce_sum3A_254 = arith.constant dense<0.000000e+00> : vector<64xf32>
    %reduce_sum3A_255 = vector.multi_reduction <add>, %mul3A_253, %reduce_sum3A_254 [1] : vector<64x64xf32> to vector<64xf32>
    %broadcast_in_dim3A_256 = vector.shape_cast %reduce_sum3A_255 : vector<64xf32> to vector<64x1xf32>
    %mul3A_257 = arith.constant 1.250000e-01 : f32
    %mul3A_258 = vector.broadcast %mul3A_257 : f32 to vector<64x1xf32>
    %mul3A_259 = arith.mulf %broadcast_in_dim3A_256, %mul3A_258 : vector<64x1xf32>
    %le3A_260 = arith.constant 4.000000e+00 : f32
    %le3A_261 = vector.broadcast %le3A_260 : f32 to vector<64x64xf32>
    %le3A_262 = arith.cmpf ole, %dot_general3A_128, %le3A_261 : vector<64x64xf32>
    %lt3A_263 = arith.constant 4.000000e+00 : f32
    %lt3A_264 = vector.broadcast %lt3A_263 : f32 to vector<64x64xf32>
    %lt3A_265 = arith.cmpf olt, %lt3A_264, %add3A_129 : vector<64x64xf32>
    %and3A_266 = arith.andi %le3A_262, %lt3A_265 : vector<64x64xi1>
    %jit3A_267 = arith.constant 1.000000e+00 : f32
    %jit3A_268 = arith.constant 0.000000e+00 : f32
    %broadcast_in_dim3A_269 = vector.broadcast %jit3A_267 : f32 to vector<64x64xf32>
    %broadcast_in_dim3A_270 = vector.broadcast %jit3A_268 : f32 to vector<64x64xf32>
    %select_n3A_271 = arith.select %and3A_266, %broadcast_in_dim3A_269, %broadcast_in_dim3A_270 : vector<64x64xi1>, vector<64x64xf32>
    %dot_general3A_272 = arith.constant dense<0.000000e+00> : vector<64x64xf32>
    %dot_general3A_273 = tpu.matmul %select_n3A_271, %dot_general3A_118, %dot_general3A_272 {dimension_numbers = #tpu.dot_dimension_numbers<[1], [0], [0], [1], [0, 0, 1, 1], [], []>, transpose_lhs_hint = false} : vector<64x64xf32>, vector<64x64xf32>, vector<64x64xf32> -> vector<64x64xf32>
    %swap3A_274 = arith.constant 0 : index
    %swap3A_275 = arith.constant 4 : index
    %swap3A_276 = arith.constant 0 : index
    %swap3A_277 = vector.load %arg17[%swap3A_274, %swap3A_275, %swap3A_276] : memref<64x8x64xf32, #tpu.memory_space<vmem>>, vector<64x1x64xf32>
    %swap3A_278 = vector.shape_cast %swap3A_277 : vector<64x1x64xf32> to vector<64x64xf32>
    %swap3A_279 = vector.shape_cast %dot_general3A_273 : vector<64x64xf32> to vector<64x1x64xf32>
    tpu.vector_store %arg17[%swap3A_274, %swap3A_275, %swap3A_276], %swap3A_279 {strides = array<i32>} : memref<64x8x64xf32, #tpu.memory_space<vmem>>, vector<64x1x64xf32>,
    %mul3A_280 = arith.mulf %dot_general3A_273, %add3A_153 : vector<64x64xf32>
    %reduce_sum3A_281 = arith.constant dense<0.000000e+00> : vector<64xf32>
    %reduce_sum3A_282 = vector.multi_reduction <add>, %mul3A_280, %reduce_sum3A_281 [1] : vector<64x64xf32> to vector<64xf32>
    %broadcast_in_dim3A_283 = vector.shape_cast %reduce_sum3A_282 : vector<64xf32> to vector<64x1xf32>
    %mul3A_284 = arith.constant 1.250000e-01 : f32
    %mul3A_285 = vector.broadcast %mul3A_284 : f32 to vector<64x1xf32>
    %mul3A_286 = arith.mulf %broadcast_in_dim3A_283, %mul3A_285 : vector<64x1xf32>
    %le3A_287 = arith.constant 5.000000e+00 : f32
    %le3A_288 = vector.broadcast %le3A_287 : f32 to vector<64x64xf32>
    %le3A_289 = arith.cmpf ole, %dot_general3A_128, %le3A_288 : vector<64x64xf32>
    %lt3A_290 = arith.constant 5.000000e+00 : f32
    %lt3A_291 = vector.broadcast %lt3A_290 : f32 to vector<64x64xf32>
    %lt3A_292 = arith.cmpf olt, %lt3A_291, %add3A_129 : vector<64x64xf32>
    %and3A_293 = arith.andi %le3A_289, %lt3A_292 : vector<64x64xi1>
    %jit3A_294 = arith.constant 1.000000e+00 : f32
    %jit3A_295 = arith.constant 0.000000e+00 : f32
    %broadcast_in_dim3A_296 = vector.broadcast %jit3A_294 : f32 to vector<64x64xf32>
    %broadcast_in_dim3A_297 = vector.broadcast %jit3A_295 : f32 to vector<64x64xf32>
    %select_n3A_298 = arith.select %and3A_293, %broadcast_in_dim3A_296, %broadcast_in_dim3A_297 : vector<64x64xi1>, vector<64x64xf32>
    %dot_general3A_299 = arith.constant dense<0.000000e+00> : vector<64x64xf32>
    %dot_general3A_300 = tpu.matmul %select_n3A_298, %dot_general3A_118, %dot_general3A_299 {dimension_numbers = #tpu.dot_dimension_numbers<[1], [0], [0], [1], [0, 0, 1, 1], [], []>, transpose_lhs_hint = false} : vector<64x64xf32>, vector<64x64xf32>, vector<64x64xf32> -> vector<64x64xf32>
    %swap3A_301 = arith.constant 0 : index
    %swap3A_302 = arith.constant 5 : index
    %swap3A_303 = arith.constant 0 : index
    %swap3A_304 = vector.load %arg17[%swap3A_301, %swap3A_302, %swap3A_303] : memref<64x8x64xf32, #tpu.memory_space<vmem>>, vector<64x1x64xf32>
    %swap3A_305 = vector.shape_cast %swap3A_304 : vector<64x1x64xf32> to vector<64x64xf32>
    %swap3A_306 = vector.shape_cast %dot_general3A_300 : vector<64x64xf32> to vector<64x1x64xf32>
    tpu.vector_store %arg17[%swap3A_301, %swap3A_302, %swap3A_303], %swap3A_306 {strides = array<i32>} : memref<64x8x64xf32, #tpu.memory_space<vmem>>, vector<64x1x64xf32>,
    %mul3A_307 = arith.mulf %dot_general3A_300, %add3A_153 : vector<64x64xf32>
    %reduce_sum3A_308 = arith.constant dense<0.000000e+00> : vector<64xf32>
    %reduce_sum3A_309 = vector.multi_reduction <add>, %mul3A_307, %reduce_sum3A_308 [1] : vector<64x64xf32> to vector<64xf32>
    %broadcast_in_dim3A_310 = vector.shape_cast %reduce_sum3A_309 : vector<64xf32> to vector<64x1xf32>
    %mul3A_311 = arith.constant 1.250000e-01 : f32
    %mul3A_312 = vector.broadcast %mul3A_311 : f32 to vector<64x1xf32>
    %mul3A_313 = arith.mulf %broadcast_in_dim3A_310, %mul3A_312 : vector<64x1xf32>
    %le3A_314 = arith.constant 6.000000e+00 : f32
    %le3A_315 = vector.broadcast %le3A_314 : f32 to vector<64x64xf32>
    %le3A_316 = arith.cmpf ole, %dot_general3A_128, %le3A_315 : vector<64x64xf32>
    %lt3A_317 = arith.constant 6.000000e+00 : f32
    %lt3A_318 = vector.broadcast %lt3A_317 : f32 to vector<64x64xf32>
    %lt3A_319 = arith.cmpf olt, %lt3A_318, %add3A_129 : vector<64x64xf32>
    %and3A_320 = arith.andi %le3A_316, %lt3A_319 : vector<64x64xi1>
    %jit3A_321 = arith.constant 1.000000e+00 : f32
    %jit3A_322 = arith.constant 0.000000e+00 : f32
    %broadcast_in_dim3A_323 = vector.broadcast %jit3A_321 : f32 to vector<64x64xf32>
    %broadcast_in_dim3A_324 = vector.broadcast %jit3A_322 : f32 to vector<64x64xf32>
    %select_n3A_325 = arith.select %and3A_320, %broadcast_in_dim3A_323, %broadcast_in_dim3A_324 : vector<64x64xi1>, vector<64x64xf32>
    %dot_general3A_326 = arith.constant dense<0.000000e+00> : vector<64x64xf32>
    %dot_general3A_327 = tpu.matmul %select_n3A_325, %dot_general3A_118, %dot_general3A_326 {dimension_numbers = #tpu.dot_dimension_numbers<[1], [0], [0], [1], [0, 0, 1, 1], [], []>, transpose_lhs_hint = false} : vector<64x64xf32>, vector<64x64xf32>, vector<64x64xf32> -> vector<64x64xf32>
    %swap3A_328 = arith.constant 0 : index
    %swap3A_329 = arith.constant 6 : index
    %swap3A_330 = arith.constant 0 : index
    %swap3A_331 = vector.load %arg17[%swap3A_328, %swap3A_329, %swap3A_330] : memref<64x8x64xf32, #tpu.memory_space<vmem>>, vector<64x1x64xf32>
    %swap3A_332 = vector.shape_cast %swap3A_331 : vector<64x1x64xf32> to vector<64x64xf32>
    %swap3A_333 = vector.shape_cast %dot_general3A_327 : vector<64x64xf32> to vector<64x1x64xf32>
    tpu.vector_store %arg17[%swap3A_328, %swap3A_329, %swap3A_330], %swap3A_333 {strides = array<i32>} : memref<64x8x64xf32, #tpu.memory_space<vmem>>, vector<64x1x64xf32>,
    %mul3A_334 = arith.mulf %dot_general3A_327, %add3A_153 : vector<64x64xf32>
    %reduce_sum3A_335 = arith.constant dense<0.000000e+00> : vector<64xf32>
    %reduce_sum3A_336 = vector.multi_reduction <add>, %mul3A_334, %reduce_sum3A_335 [1] : vector<64x64xf32> to vector<64xf32>
    %broadcast_in_dim3A_337 = vector.shape_cast %reduce_sum3A_336 : vector<64xf32> to vector<64x1xf32>
    %mul3A_338 = arith.constant 1.250000e-01 : f32
    %mul3A_339 = vector.broadcast %mul3A_338 : f32 to vector<64x1xf32>
    %mul3A_340 = arith.mulf %broadcast_in_dim3A_337, %mul3A_339 : vector<64x1xf32>
    %le3A_341 = arith.constant 7.000000e+00 : f32
    %le3A_342 = vector.broadcast %le3A_341 : f32 to vector<64x64xf32>
    %le3A_343 = arith.cmpf ole, %dot_general3A_128, %le3A_342 : vector<64x64xf32>
    %lt3A_344 = arith.constant 7.000000e+00 : f32
    %lt3A_345 = vector.broadcast %lt3A_344 : f32 to vector<64x64xf32>
    %lt3A_346 = arith.cmpf olt, %lt3A_345, %add3A_129 : vector<64x64xf32>
    %and3A_347 = arith.andi %le3A_343, %lt3A_346 : vector<64x64xi1>
    %jit3A_348 = arith.constant 1.000000e+00 : f32
    %jit3A_349 = arith.constant 0.000000e+00 : f32
    %broadcast_in_dim3A_350 = vector.broadcast %jit3A_348 : f32 to vector<64x64xf32>
    %broadcast_in_dim3A_351 = vector.broadcast %jit3A_349 : f32 to vector<64x64xf32>
    %select_n3A_352 = arith.select %and3A_347, %broadcast_in_dim3A_350, %broadcast_in_dim3A_351 : vector<64x64xi1>, vector<64x64xf32>
    %dot_general3A_353 = arith.constant dense<0.000000e+00> : vector<64x64xf32>
    %dot_general3A_354 = tpu.matmul %select_n3A_352, %dot_general3A_118, %dot_general3A_353 {dimension_numbers = #tpu.dot_dimension_numbers<[1], [0], [0], [1], [0, 0, 1, 1], [], []>, transpose_lhs_hint = false} : vector<64x64xf32>, vector<64x64xf32>, vector<64x64xf32> -> vector<64x64xf32>
    %swap3A_355 = arith.constant 0 : index
    %swap3A_356 = arith.constant 7 : index
    %swap3A_357 = arith.constant 0 : index
    %swap3A_358 = vector.load %arg17[%swap3A_355, %swap3A_356, %swap3A_357] : memref<64x8x64xf32, #tpu.memory_space<vmem>>, vector<64x1x64xf32>
    %swap3A_359 = vector.shape_cast %swap3A_358 : vector<64x1x64xf32> to vector<64x64xf32>
    %swap3A_360 = vector.shape_cast %dot_general3A_354 : vector<64x64xf32> to vector<64x1x64xf32>
    tpu.vector_store %arg17[%swap3A_355, %swap3A_356, %swap3A_357], %swap3A_360 {strides = array<i32>} : memref<64x8x64xf32, #tpu.memory_space<vmem>>, vector<64x1x64xf32>,
    %mul3A_361 = arith.mulf %dot_general3A_354, %add3A_153 : vector<64x64xf32>
    %reduce_sum3A_362 = arith.constant dense<0.000000e+00> : vector<64xf32>
    %reduce_sum3A_363 = vector.multi_reduction <add>, %mul3A_361, %reduce_sum3A_362 [1] : vector<64x64xf32> to vector<64xf32>
    %broadcast_in_dim3A_364 = vector.shape_cast %reduce_sum3A_363 : vector<64xf32> to vector<64x1xf32>
    %mul3A_365 = arith.constant 1.250000e-01 : f32
    %mul3A_366 = vector.broadcast %mul3A_365 : f32 to vector<64x1xf32>
    %mul3A_367 = arith.mulf %broadcast_in_dim3A_364, %mul3A_366 : vector<64x1xf32>
    %concatenate3A = tpu.concatenate %mul3A_178, %mul3A_205, %mul3A_232, %mul3A_259, %mul3A_286, %mul3A_313, %mul3A_340, %mul3A_367 in 1 : vector<64x1xf32>, vector<64x1xf32>, vector<64x1xf32>, vector<64x1xf32>, vector<64x1xf32>, vector<64x1xf32>, vector<64x1xf32>, vector<64x1xf32> -> vector<64x8xf32>
    %reduce_max3A = arith.constant dense<0xFF800000> : vector<64xf32>
    %reduce_max3A_368 = vector.multi_reduction <maximumf>, %concatenate3A, %reduce_max3A [1] : vector<64x8xf32> to vector<64xf32>
    %broadcast_in_dim3A_369 = vector.shape_cast %reduce_max3A_368 : vector<64xf32> to vector<64x1xf32>
    %sub3A_370 = vector.broadcast %broadcast_in_dim3A_369 : vector<64x1xf32> to vector<64x8xf32>
    %sub3A_371 = arith.subf %concatenate3A, %sub3A_370 : vector<64x8xf32>
    %exp3A = math.exp %sub3A_371 : vector<64x8xf32>
    %reduce_sum3A_372 = arith.constant dense<0.000000e+00> : vector<64xf32>
    %reduce_sum3A_373 = vector.multi_reduction <add>, %exp3A, %reduce_sum3A_372 [1] : vector<64x8xf32> to vector<64xf32>
    %broadcast_in_dim3A_374 = vector.shape_cast %reduce_sum3A_373 : vector<64xf32> to vector<64x1xf32>
    %div3A_375 = vector.broadcast %broadcast_in_dim3A_374 : vector<64x1xf32> to vector<64x8xf32>
    %div3A_376 = arith.divf %exp3A, %div3A_375 : vector<64x8xf32>
    %broadcast_in_dim3A_377 = arith.constant 0.000000e+00 : f32
    %broadcast_in_dim3A_378 = vector.broadcast %broadcast_in_dim3A_377 : f32 to vector<64x64xf32>
    %slice3A_379 = vector.extract_strided_slice %div3A_376 {offsets = [0, 0], sizes = [64, 1], strides = [1, 1]} : vector<64x8xf32> to vector<64x1xf32>
    %mul3A_380 = vector.broadcast %slice3A_379 : vector<64x1xf32> to vector<64x64xf32>
    %mul3A_381 = arith.mulf %mul3A_380, %dot_general3A_166 : vector<64x64xf32>
    %add3A_382 = arith.addf %broadcast_in_dim3A_378, %mul3A_381 : vector<64x64xf32>
    %slice3A_383 = vector.extract_strided_slice %div3A_376 {offsets = [0, 1], sizes = [64, 1], strides = [1, 1]} : vector<64x8xf32> to vector<64x1xf32>
    %mul3A_384 = vector.broadcast %slice3A_383 : vector<64x1xf32> to vector<64x64xf32>
    %mul3A_385 = arith.mulf %mul3A_384, %dot_general3A_192 : vector<64x64xf32>
    %add3A_386 = arith.addf %add3A_382, %mul3A_385 : vector<64x64xf32>
    %slice3A_387 = vector.extract_strided_slice %div3A_376 {offsets = [0, 2], sizes = [64, 1], strides = [1, 1]} : vector<64x8xf32> to vector<64x1xf32>
    %mul3A_388 = vector.broadcast %slice3A_387 : vector<64x1xf32> to vector<64x64xf32>
    %mul3A_389 = arith.mulf %mul3A_388, %dot_general3A_219 : vector<64x64xf32>
    %add3A_390 = arith.addf %add3A_386, %mul3A_389 : vector<64x64xf32>
    %slice3A_391 = vector.extract_strided_slice %div3A_376 {offsets = [0, 3], sizes = [64, 1], strides = [1, 1]} : vector<64x8xf32> to vector<64x1xf32>
    %mul3A_392 = vector.broadcast %slice3A_391 : vector<64x1xf32> to vector<64x64xf32>
    %mul3A_393 = arith.mulf %mul3A_392, %dot_general3A_246 : vector<64x64xf32>
    %add3A_394 = arith.addf %add3A_390, %mul3A_393 : vector<64x64xf32>
    %slice3A_395 = vector.extract_strided_slice %div3A_376 {offsets = [0, 4], sizes = [64, 1], strides = [1, 1]} : vector<64x8xf32> to vector<64x1xf32>
    %mul3A_396 = vector.broadcast %slice3A_395 : vector<64x1xf32> to vector<64x64xf32>
    %mul3A_397 = arith.mulf %mul3A_396, %dot_general3A_273 : vector<64x64xf32>
    %add3A_398 = arith.addf %add3A_394, %mul3A_397 : vector<64x64xf32>
    %slice3A_399 = vector.extract_strided_slice %div3A_376 {offsets = [0, 5], sizes = [64, 1], strides = [1, 1]} : vector<64x8xf32> to vector<64x1xf32>
    %mul3A_400 = vector.broadcast %slice3A_399 : vector<64x1xf32> to vector<64x64xf32>
    %mul3A_401 = arith.mulf %mul3A_400, %dot_general3A_300 : vector<64x64xf32>
    %add3A_402 = arith.addf %add3A_398, %mul3A_401 : vector<64x64xf32>
    %slice3A_403 = vector.extract_strided_slice %div3A_376 {offsets = [0, 6], sizes = [64, 1], strides = [1, 1]} : vector<64x8xf32> to vector<64x1xf32>
    %mul3A_404 = vector.broadcast %slice3A_403 : vector<64x1xf32> to vector<64x64xf32>
    %mul3A_405 = arith.mulf %mul3A_404, %dot_general3A_327 : vector<64x64xf32>
    %add3A_406 = arith.addf %add3A_402, %mul3A_405 : vector<64x64xf32>
    %slice3A_407 = vector.extract_strided_slice %div3A_376 {offsets = [0, 7], sizes = [64, 1], strides = [1, 1]} : vector<64x8xf32> to vector<64x1xf32>
    %mul3A_408 = vector.broadcast %slice3A_407 : vector<64x1xf32> to vector<64x64xf32>
    %mul3A_409 = arith.mulf %mul3A_408, %dot_general3A_354 : vector<64x64xf32>
    %add3A_410 = arith.addf %add3A_406, %mul3A_409 : vector<64x64xf32>
    %get3A_411 = arith.constant 0 : index
    %get3A_412 = arith.constant 0 : index
    %get3A_413 = vector.load %arg14[%get3A_411, %get3A_412] : memref<64x64xf32, #tpu.memory_space<vmem>>, vector<64x64xf32>
    %dot_general3A_414 = arith.constant dense<0.000000e+00> : vector<64x64xf32>
    %dot_general3A_415 = tpu.matmul %add3A_410, %get3A_413, %dot_general3A_414 {dimension_numbers = #tpu.dot_dimension_numbers<[1], [1], [0], [0], [0, 0, 1, 0], [], []>, transpose_lhs_hint = false} : vector<64x64xf32>, vector<64x64xf32>, vector<64x64xf32> -> vector<64x64xf32>
    %get3A_416 = arith.constant 0 : index
    %get3A_417 = arith.constant 0 : index
    %get3A_418 = vector.load %arg15[%get3A_416, %get3A_417] : memref<1x64xf32, #tpu.memory_space<vmem>>, vector<1x64xf32>
    %add3A_419 = vector.broadcast %get3A_418 : vector<1x64xf32> to vector<64x64xf32>
    %add3A_420 = arith.addf %dot_general3A_415, %add3A_419 : vector<64x64xf32>
    %swap3A_421 = arith.constant 0 : index
    %swap3A_422 = arith.constant 0 : index
    %swap3A_423 = vector.load %arg16[%swap3A_421, %swap3A_422] : memref<64x64xf32, #tpu.memory_space<vmem>>, vector<64x64xf32>
    tpu.vector_store %arg16[%swap3A_421, %swap3A_422], %add3A_420 {strides = array<i32>} : memref<64x64xf32, #tpu.memory_space<vmem>>, vector<64x64xf32>,
    return
  }
  func.func @transform_0(%arg0: i32) -> (i32, i32) {
    %c0_i32 = arith.constant 0 : i32
    %c0_i32_0 = arith.constant 0 : i32
    %c0_i32_1 = arith.constant 0 : i32
    return %c0_i32, %c0_i32_0 : i32, i32
  }
  func.func @transform_1(%arg0: i32) -> (i32, i32) {
    %c0_i32 = arith.constant 0 : i32
    %c63_i32 = arith.constant 63 : i32
    %c0_i32_0 = arith.constant 0 : i32
    return %c0_i32, %c63_i32 : i32, i32
  }
  func.func @transform_2(%arg0: i32) -> (i32, i32) {
    %c0_i32 = arith.constant 0 : i32
    %c0_i32_0 = arith.constant 0 : i32
    %c0_i32_1 = arith.constant 0 : i32
    return %c0_i32, %c0_i32_0 : i32, i32
  }
  func.func @transform_3(%arg0: i32) -> (i32, i32) {
    %c0_i32 = arith.constant 0 : i32
    %c0_i32_0 = arith.constant 0 : i32
    %c0_i32_1 = arith.constant 0 : i32
    return %c0_i32, %c0_i32_0 : i32, i32
  }
  func.func @transform_4(%arg0: i32) -> (i32, i32) {
    %c0_i32 = arith.constant 0 : i32
    %c0_i32_0 = arith.constant 0 : i32
    %c0_i32_1 = arith.constant 0 : i32
    return %c0_i32, %c0_i32_0 : i32, i32
  }
  func.func @transform_5(%arg0: i32) -> (i32, i32) {
    %c0_i32 = arith.constant 0 : i32
    %c0_i32_0 = arith.constant 0 : i32
    %c0_i32_1 = arith.constant 0 : i32
    return %c0_i32, %c0_i32_0 : i32, i32
  }
  func.func @transform_6(%arg0: i32) -> (i32, i32) {
    %c0_i32 = arith.constant 0 : i32
    %c0_i32_0 = arith.constant 0 : i32
    %c0_i32_1 = arith.constant 0 : i32
    return %c0_i32, %c0_i32_0 : i32, i32
  }
  func.func @transform_7(%arg0: i32) -> (i32, i32) {
    %c0_i32 = arith.constant 0 : i32
    %c0_i32_0 = arith.constant 0 : i32
    %c0_i32_1 = arith.constant 0 : i32
    return %c0_i32, %c0_i32_0 : i32, i32
  }
  func.func @transform_8(%arg0: i32) -> (i32, i32) {
    %c0_i32 = arith.constant 0 : i32
    %c0_i32_0 = arith.constant 0 : i32
    %c0_i32_1 = arith.constant 0 : i32
    return %c0_i32, %c0_i32_0 : i32, i32
  }
  func.func @transform_9(%arg0: i32) -> (i32, i32) {
    %c0_i32 = arith.constant 0 : i32
    %c0_i32_0 = arith.constant 0 : i32
    %c0_i32_1 = arith.constant 0 : i32
    return %c0_i32, %c0_i32_0 : i32, i32
  }
  func.func @transform_10(%arg0: i32) -> (i32, i32) {
    %c0_i32 = arith.constant 0 : i32
    %c0_i32_0 = arith.constant 0 : i32
    %c0_i32_1 = arith.constant 0 : i32
    return %c0_i32, %c0_i32_0 : i32, i32
  }
  func.func @transform_11(%arg0: i32) -> (i32, i32) {
    %c0_i32 = arith.constant 0 : i32
    %c0_i32_0 = arith.constant 0 : i32
    %c0_i32_1 = arith.constant 0 : i32
    return %c0_i32, %c0_i32_0 : i32, i32
  }
  func.func @transform_12(%arg0: i32) -> (i32, i32) {
    %c0_i32 = arith.constant 0 : i32
    %c0_i32_0 = arith.constant 0 : i32
    %c0_i32_1 = arith.constant 0 : i32
    return %c0_i32, %c0_i32_0 : i32, i32
  }
  func.func @transform_13(%arg0: i32) -> (i32, i32) {
    %c0_i32 = arith.constant 0 : i32
    %c0_i32_0 = arith.constant 0 : i32
    %c0_i32_1 = arith.constant 0 : i32
    return %c0_i32, %c0_i32_0 : i32, i32
  }
  func.func @transform_14(%arg0: i32) -> (i32, i32) {
    %c0_i32 = arith.constant 0 : i32
    %c0_i32_0 = arith.constant 0 : i32
    %c0_i32_1 = arith.constant 0 : i32
    return %c0_i32, %c0_i32_0 : i32, i32
  }
  func.func @transform_15(%arg0: i32) -> (i32, i32) {
    %c0_i32 = arith.constant 0 : i32
    %c0_i32_0 = arith.constant 0 : i32
    %c0_i32_1 = arith.constant 0 : i32
    return %c0_i32, %c0_i32_0 : i32, i32
  }
  func.func @transform_16(%arg0: i32) -> (i32, i32, i32) {
    %c0_i32 = arith.constant 0 : i32
    %c0_i32_0 = arith.constant 0 : i32
    %c0_i32_1 = arith.constant 0 : i32
    %c0_i32_2 = arith.constant 0 : i32
    return %c0_i32, %c0_i32_0, %c0_i32_1 : i32, i32, i32
  }
}

</mosaic_0001>

<sc_bundles>
// kernel: kernel.4.cloned.1.call-start
scs
__scs_entry_jumppad:
0x0: {  	(pc) =	sbr.rel $0x88, $3  }
0x1: {  	(tag) =	ssettag $0x0;
	lr =	simm.s32 $0x1  }
0x2: {  	[smem:$0x3F93] =	sst lr;
	_ =	strace $0xD0000000  }
0x3: {  	_ = 	snop  }
0x4: {  	_ = 	snop  }
0x5: {  	_ = 	snop  }
0x6: {  	_ = 	snop  }
0x7: {  	_ = 	snop  }
__scs_overlays_trampoline_lowered:
0x8: {  	[smem:$0x3FA2] =	sst s0  }
0x9: {  	[smem:$0x3FA3] =	sst s1  }
0xa: {  	[smem:$0x3FA4] =	sst s2  }
0xb: {  	[smem:$0x3FA5] =	sst s3  }
0xc: {  	[smem:$0x3FA6] =	sst s4  }
0xd: {  	[smem:$0x3FA7] =	sst s5  }
0xe: {  	[smem:$0x3FA8] =	sst s6  }
0xf: {  	[smem:$0x3FA9] =	sst s7  }
0x10: {  	[smem:$0x3FAA] =	sst s8  }
0x11: {  	[smem:$0x3FAB] =	sst s9;
	s0 =	simm.s32 @!p0 $0x0  }
0x12: {  	s1 =	sld [smem:$0x3F91];
	s0 =	simm.s32 @p0 $0x1  }
0x13: {  	[smem:$0x3FAC] =	sst s0;
	s0 =	simm.s32 @!p1 $0x0  }
0x14: {  	s2 =	sld [smem:$0x3F90];
	s0 =	simm.s32 @p1 $0x1  }
0x15: {  	[smem:$0x3FAD] =	sst s0;
	s0 =	simm.s32 @!p2 $0x0  }
0x16: {  	s3 =	sld [smem:$0x3FDB];
	s0 =	simm.s32 @p2 $0x1  }
0x17: {  	s4 =	simm.s32 $0x1BF5;
	[smem:$0x3FAF] =	sst s0  }
0x18: {  	s0 =	sld [smem:$0x3F92];
	_ =	swait.ge [sflag:s4], $0x0  }
0x19: {  	s7 =	sld [smem:$0x3F93]  }
0x1a: {  	s8 =	sadd.s32 $0xFFFFE003, lr  }
0x1b: {  	s9 =	sadd.s32 $0xFFFFFEF7, lr;
	s5 =	simm.s32 $0xFFFFFFFF;
	p2 =	slt.u32 s8, $0xFFFFF086  }
0x1c: {  	p1 =	slt.u32 s9, $0xF7A;
	s5 =	simm.s32 @!p2 $0x0  }
0x1d: {  	s5 =	simm.s32 @p1 $0x1;
	p0 =	seq.s32 s7, s2  }
0x1e: {  	s7 =	smul.u32 @!p0 $0xF7A, s2;
	p2 =	seq.s32 @!p0 s5, $0x0  }
0x1f: {  	s9 =	smul.u32 $0xF7A, s1;
	s8 =	simm.s32 @!p0 $0x1BF5;
	p2 =	por !p2, p0  }
0x20: {  	[sflag:s8] =	ssyncset.s32 @!p0 $0xFFFFF086;
	s6 =	sadd.s32 @!p0 s3, s7;
	s7 =	simm.s32 @!p0 $0x108  }
0x21: {  	s3 =	sadd.s32 s3, s9;
	s6 =	sadd.s32 @!p0 $0x88, s6;
	s7 =	simm.s32 @p2 $0x1082  }
0x22: {  	[simem:s7], [sflag:s8] =	dma.local @!p0 [hbm:s6], $0xF7A  }
0x23: {  	s9 =	sor.u32 $0xD0000000, s2;
	s6 =	simm.s32 $0x108;
	_ =	swait.ge @!p0 [sflag:s8], $0x0  }
0x24: {  	s3 =	sadd.s32 $0x88, s3;
	s6 =	simm.s32 @!p1 $0x1082;
	[sflag:s4] =	ssyncset.s32 $0xFFFFF086  }
0x25: {  	[simem:s6], [sflag:s4] =	dma.local [hbm:s3], $0xF7A  }
0x26: {  	[smem:$0x3F93] =	sst s1;
	(tag) =	ssettag s2;
	_ =	strace s9  }
0x27: {  	s1 =	sld [smem:$0x3FA3]  }
0x28: {  	s2 =	sld [smem:$0x3FA4]  }
0x29: {  	s4 =	sld [smem:$0x3FA6]  }
0x2a: {  	p0 =	seq.s32 s5, $0x0;
	s5 =	sld [smem:$0x3FA7]  }
0x2b: {  	s6 =	sld [smem:$0x3FA8]  }
0x2c: {  	s7 =	sld [smem:$0x3FA9]  }
0x2d: {  	s3 =	simm.s32 $0x108;
	s8 =	sld [smem:$0x3FAA]  }
0x2e: {  	s3 =	simm.s32 @!p0 $0x1082;
	s9 =	sld [smem:$0x3FAB]  }
0x2f: {  	lr =	sadd.s32 s0, s3;
	s0 =	sld [smem:$0x3FA2]  }
0x30: {  	s3 =	sld [smem:$0x3FA5]  }
0x31: {  	[smem:$0x3FAE] =	sst s10  }
0x32: {  	s10 =	sld [smem:$0x3FAC];
	_ =	sdelay $0x3  }
0x33: {  	p0 =	seq.s32 s10, $0x1;
	s10 =	sld [smem:$0x3FAE];
	_ =	sdelay $0x3  }
0x34: {  	[smem:$0x3FAE] =	sst s10  }
0x35: {  	s10 =	sld [smem:$0x3FAD];
	_ =	sdelay $0x3  }
0x36: {  	p1 =	seq.s32 s10, $0x1;
	s10 =	sld [smem:$0x3FAE];
	_ =	sdelay $0x3  }
0x37: {  	[smem:$0x3FAE] =	sst s10  }
0x38: {  	s10 =	sld [smem:$0x3FAF]  }
0x39: {  	_ = 	snop;
	(pc) =	sbr.ind lr, $3  }
0x3a: {  	_ = 	snop  }
0x3b: {  	_ = 	snop  }
0x3c: {  	p2 =	seq.s32 s10, $0x1;
	s10 =	sld [smem:$0x3FAE]  }
0x3d: {  	_ =	shalt  }
0x3e: {  	_ =	shalt  }
0x3f: {  	_ =	shalt  }
0x40: {  	_ =	shalt  }
0x41: {  	_ =	shalt  }
0x42: {  	_ =	shalt  }
0x43: {  	_ =	shalt  }
0x44: {  	_ =	shalt  }
0x45: {  	_ =	shalt  }
0x46: {  	_ =	shalt  }
0x47: {  	_ =	shalt  }
0x48: {  	_ =	shalt  }
0x49: {  	_ =	shalt  }
0x4a: {  	_ =	shalt  }
0x4b: {  	_ =	shalt  }
0x4c: {  	_ =	shalt  }
0x4d: {  	_ =	shalt  }
0x4e: {  	_ =	shalt  }
0x4f: {  	_ =	shalt  }
0x50: {  	_ =	shalt  }
0x51: {  	_ =	shalt  }
0x52: {  	_ =	shalt  }
0x53: {  	_ =	shalt  }
0x54: {  	_ =	shalt  }
0x55: {  	_ =	shalt  }
0x56: {  	_ =	shalt  }
0x57: {  	_ =	shalt  }
0x58: {  	_ =	shalt  }
0x59: {  	_ =	shalt  }
0x5a: {  	_ =	shalt  }
0x5b: {  	_ =	shalt  }
0x5c: {  	_ =	shalt  }
0x5d: {  	_ =	shalt  }
0x5e: {  	_ =	shalt  }
0x5f: {  	_ =	shalt  }
0x60: {  	_ =	shalt  }
0x61: {  	_ =	shalt  }
0x62: {  	_ =	shalt  }
0x63: {  	_ =	shalt  }
0x64: {  	_ =	shalt  }
0x65: {  	_ =	shalt  }
0x66: {  	_ =	shalt  }
0x67: {  	_ =	shalt  }
0x68: {  	_ =	shalt  }
0x69: {  	_ =	shalt  }
0x6a: {  	_ =	shalt  }
0x6b: {  	_ =	shalt  }
0x6c: {  	_ =	shalt  }
0x6d: {  	_ =	shalt  }
0x6e: {  	_ =	shalt  }
0x6f: {  	_ =	shalt  }
0x70: {  	_ =	shalt  }
0x71: {  	_ =	shalt  }
0x72: {  	_ =	shalt  }
0x73: {  	_ =	shalt  }
0x74: {  	_ =	shalt  }
0x75: {  	_ =	shalt  }
0x76: {  	_ =	shalt  }
0x77: {  	_ =	shalt  }
0x78: {  	_ =	shalt  }
0x79: {  	_ =	shalt  }
0x7a: {  	_ =	shalt  }
0x7b: {  	_ =	shalt  }
0x7c: {  	_ =	shalt  }
0x7d: {  	_ =	shalt  }
0x7e: {  	_ =	shalt  }
0x7f: {  	_ =	shalt  }
0x80: {  	_ =	shalt  }
0x81: {  	_ =	shalt  }
0x82: {  	_ =	shalt  }
0x83: {  	_ =	shalt  }
0x84: {  	_ =	shalt  }
0x85: {  	_ =	shalt  }
0x86: {  	_ =	shalt  }
0x87: {  	_ =	shalt  }
.Lfunc_end0:
.L_simem_size_0:
called_computation_lowered:
.L_overlay_start_0:
0x88: {  	s2 =	sld [smem:$0x3FD9]  }
0x89: {  	s3 =	sld [smem:$0x3FFE];
	_ =	sdelay $0x1  }
0x8a: {  	s1 =	srdreg.scid  }
0x8b: {  	s0 =	sand.u32 $0x1, s1  }
0x8c: {  	s15 =	sshll.u32 s0, $0xA;
	s2 =	sadd.s32 s3, s2  }
0x8d: {  	s2 =	sadd.s32 s2, s15  }
0x8e: {  	[smem:$0x3FBA] =	sst s2  }
0x8f: {  	_ = 	snop  }
0x90: {  	s2 =	sld [smem:$0x3FD0];
	_ =	sdelay $0x2  }
0x91: {  	s4 =	simm.s32 $0xA;
	s5 =	simm.s32 $0x10;
	s16 =	sld [smem:$0x3FC9]  }
0x92: {  	[smem:s5], [sflag:s4] =	dma.local [hbm:s2], $0x1  }
0x93: {  	_ =	swait.eq [sflag:s4], $0x1  }
0x94: {  	[sflag:s4] =	ssyncset.done $0x0  }
0x95: {  	[sflag:s4] =	ssyncadd.s32 $0xFFFFFFFF  }
0x96: {  	s17 =	sld [smem:$0x10];
	(tm) =	ssettm $0x1  }
0x97: {  	s18 =	sld [smem:$0x3FFB];
	_ =	sdelay $0x3  }
0x98: {  	_ =	strace s18  }
0x99: {  	s4 =	sld [smem:$0x3FFC];
	_ =	sdelay $0x3  }
0x9a: {  	_ =	strace s4  }
0x9b: {  	s4 =	sld [smem:$0x3FFD];
	_ =	sdelay $0x3  }
0x9c: {  	_ =	strace s4  }
0x9d: {  	_ =	strace $0x8FFFFFFF  }
0x9e: {  	s19 =	sld [smem:$0x3FDB];
	_ =	sdelay $0x1  }
0x9f: {  	s20 =	simm.s32 $_scs_section_size  }
0xa0: {  	s6 =	simm.s32 $_size__tile_overlayer_lowered;
	s7 =	simm.s32 $_tile_overlayer_lowered  }
0xa1: {  	s23 =	simm.s32 $0x1BFF;
	s22 =	sshll.u32 s7, $0x1;
	s4 =	sadd.s32 s20, s19  }
0xa2: {  	s8 =	simm.s32 $0x0;
	s21 =	sshll.u32 s6, $0x1;
	s6 =	sadd.s32 s22, s4  }
0xa3: {  	[timem:s8], [sflag:s23] =	dma.local [hbm:s6], s21  }
0xa4: {  	_ =	swait.ge [sflag:s23], s21  }
0xa5: {  	s5 =	ssub.s32 $0x0, s21;
	[sflag:s23] =	ssyncset.done $0x0  }
0xa6: {  	[sflag:s23] =	ssyncadd.s32 s5;
	_ =	sdelay $0x1  }
0xa7: {  	s24 =	simm.s32 $0x1B8B  }
0xa8: {  	_ =	swait.ge [sflag:s24], $0x1  }
0xa9: {  	[sflag:s24] =	ssyncset.done $0x0  }
0xaa: {  	s25 =	simm.s32 $0x1B8E;
	[sflag:s24] =	ssyncadd.s32 $0xFFFFFFFF  }
0xab: {  	s26 =	simm.s32 $execute0_lowered;
	[smem:$0x3FD2] =	sst s25  }
0xac: {  	s5 =	sshll.u32 s26, $0x1;
	_ =	strace $0x80000046;
	[dreg:$0x1] =	wrdreg $0xFFFFFFFF  }
0xad: {  	s28 =	simm.s32 $_size_execute0_lowered;
	s4 =	sadd.s32 s4, s5;
	[dreg:$0x0] =	wrdreg $0x0  }
0xae: {  	s5 =	sshll.u32 s28, $0x1;
	[dreg:$0x2] =	wrdreg s4  }
0xaf: {  	[dreg:$0x3] =	wrdreg s5  }
0xb0: {  	[dreg:$0x4] =	wrdreg $0xC0  }
0xb1: {  	_ =	task [dreg:s8], $0x5FFFF  }
0xb2: {  	[dreg:$0x1] =	wrdreg $0xFFFFFFFF  }
0xb3: {  	[dreg:$0x0] =	wrdreg $0x60  }
0xb4: {  	[dreg:$0x2] =	wrdreg s16  }
0xb5: {  	[dreg:$0x3] =	wrdreg s17  }
0xb6: {  	[dreg:$0x4] =	wrdreg $0x9  }
0xb7: {  	_ =	task.clear_ibuf [dreg:s8], $0x5FFFF;
	_ =	strace $0x90000046  }
0xb8: {  	s29 =	simm.s32 $0x9;
	_ =	strace $0x80000048  }
0xb9: {  	_ =	swait.ge [sflag:s29], $0x1  }
0xba: {  	[sflag:s29] =	ssyncadd.s32 $0xFFFFFFFF  }
0xbb: {  	_ =	strace $0x90000048  }
0xbc: {  	_ =	sfence  }
0xbd: {  	s30 =	sld [smem:$0x0];
	_ =	sdelay $0x2  }
0xbe: {  	s31 =	sshll.u32 s1, $0xD;
	s1 =	sshrl.u32 s1, $0x2  }
0xbf: {  	s3 =	sand.u32 $0x4000, s31;
	s1 =	sadd.s32 s1, s30  }
0xc0: {  	s0 =	sor.u32 s3, s0;
	s1 =	sshll.u32 s1, $0x11  }
0xc1: {  	s0 =	sor.u32 s1, s0  }
0xc2: {  	s0 =	sadd.s32 $0x8F2B, s0  }
0xc3: {  	[sflag:s0] =	ssyncadd.remote.s32 $0x1  }
0xc4: {  	_ =	sfence.sel $0xFFFF  }
0xc5: {  	[dreg:$0x0] =	wrdreg $0xFFFFFFFF;
	(pc) =	sbr.abs _section_cstart, $3  }
0xc6: {  	[dreg:$0x1] =	wrdreg $0xFFFFFFFF  }
0xc7: {  	_ =	task.clear_ibuf [dreg:s8], $0x2FFFF;
	_ =	strace $0x9FFFFFFF  }
0xc8: {  	(tm) =	ssettm $0x7FFFFFFF  }
0xc9: {  	_ =	shalt  }
tec
execute0_lowered:
.L_overlay_start_1:
0x0: {  	(tag) =	ssettag $0x1  }
0x1: {  	s5 =	rddreg [dreg:$0x0]  }
0x2: {  	s6 =	rddreg [dreg:$0x1]  }
0x3: {  	s0 =	rddreg [dreg:$0x2]  }
0x4: {  	s3 =	srdreg.scid;
	s1 =	stileid.u32  }
0x5: {  	s2 =	simm.s32 $0x0;
	s11 =	simm.s32 $0x4000;
	s12 =	simm.s32 $0x0  }
0x6: {  	s3 =	sand.u32 $0x1, s3;
	s4 =	sshll.u32 s1, $0x9;
	s8 =	sshrl.u32 s1, $0x1  }
0x7: {  	[smem:$0x7FF] =	sst s2;
	s7 =	sshll.u32 s3, $0x8;
	s4 =	sand.u32 $0x200, s4  }
0x8: {  	s3 =	ssub.s32 $0x2, s3;
	s29 =	sshll.u32 s8, $0x10;
	_ =	strace $0x80000047  }
0x9: {  	s8 =	sshll.u32 s8, $0xA;
	s4 =	sor.u32 s7, s4;
	s9 =	sshrl.u32 s3, $0x1  }
0xa: {  	v0 =	vlaneseq.u32;
	s10 =	sor.u32 s29, s4;
	s9 =	ssub.s32 s3, s9;
	s31 =	sor.u32 $0x80, s4  }
0xb: {  	v0 =	vmul.u32 $0x40, v0;
	s4 =	sor.u32 s8, s4;
	s30 =	sshrl.u32 s10, $0x3;
	s7 =	sor.u32 s29, s31  }
0xc: {  	s8 =	sor.u32 s8, s31;
	s4 =	sshrl.u32 s4, $0x3;
	s10 =	simm.s32 $0x1  }
0xd: {  	v1 =	vimm.s32 $0x0;
	v2 =	vimm.s32 $0x1;
	v3 =	vor.u32 $0x400, v0;
	s3 =	sadd.s32 s5, s30;
	s7 =	sshrl.u32 s7, $0x3;
	s8 =	sshrl.u32 s8, $0x3  }
0xe: {  	v4 =	vor.u32 $0x800, v0;
	v5 =	vor.u32 $0xC00, v0;
	v6 =	vor.u32 $0x1000, v0;
	s4 =	sadd.s32 s6, s4;
	s5 =	sadd.s32 s5, s7;
	s6 =	sadd.s32 s6, s8  }
0xf: {  	v7 =	vor.u32 $0x1400, v0;
	v8 =	vor.u32 $0x1800, v0;
	v9 =	vor.u32 $0x1C00, v0;
	s7 =	smax.u32 s9, $0x1;
	s8 =	simm.s32 $0x80;
	s9 =	simm.s32 $0x400  }
.LBB2_1:
0x10: {  	s13 =	simm.s32 $0x2020  }
0x11: {  	[tilespmem:s13+$0xFFFFFFE0] =	vst v1  }
0x12: {  	[tilespmem:s13+$0x10] =	vst v1  }
0x13: {  	s14 =	simm.s32 $0x0;
	[tilespmem:s13+$0x0] =	vst v1  }
.LBB2_2:
0x14: {  	s14 =	sadd.s32 $0x40, s14  }
0x15: {  	[tilespmem:s13+$0xFFFFFFF0] =	vst v1;
	s13 =	sadd.s32 $0x40, s13;
	p0 =	slt.u32 s14, $0x1FC0  }
.Ltmp0:
0x16: {  	[tilespmem:s13+$0xFFFFFFE0] =	vst v1;
	(pc) =	sbr.rel @p0 .LBB2_2-.Ltmp0, $3  }
0x17: {  	_ =	sdelay $0x1  }
0x18: {  	[tilespmem:s13+$0x10] =	vst v1  }
0x19: {  	[tilespmem:s13+$0x0] =	vst v1  }
0x1a: {  	[tilespmem:s13+$0xFFFFFFF0] =	vst v1  }
0x1b: {  	[tilespmem:s2], [sflag:$0x1] =	stream.strided.gather [hbm4b:s3+s8], $0x2000, s9, s8, $0x38;
	[tilespmem:$0x4080] =	vst v63  }
0x1c: {  	_ =	swait.ge [sflag:s10], $0x2000  }
0x1d: {  	[sflag:s10] =	ssyncset.done $0x0  }
0x1e: {  	s31 =	simm.s32 $0x40;
	[sflag:s10] =	ssyncadd.s32 $0xFFFFE000  }
0x1f: {  	v10 =	vld [tilespmem:s31+$0x30]  }
0x20: {  	v11 =	vld [tilespmem:s31+$0xFFFFFFD0]  }
0x21: {  	v12 =	vld [tilespmem:s31+$0xFFFFFFE0]  }
0x22: {  	v13 =	vld [tilespmem:s31+$0xFFFFFFF0]  }
0x23: {  	v14 =	vld [tilespmem:s31+$0x0]  }
0x24: {  	v15 =	vld [tilespmem:s31+$0x10];
	v10 =	vadd.s32 v9, v10  }
0x25: {  	v11 =	vadd.s32 v3, v11  }
0x26: {  	v12 =	vadd.s32 v4, v12  }
0x27: {  	v16 =	vld [tilespmem:s31+$0x20];
	v13 =	vadd.s32 v5, v13  }
0x28: {  	s13 =	simm.s32 $0x2000;
	v17 =	vld [tilespmem:s31+$0xFFFFFFC0];
	v14 =	vadd.s32 v6, v14  }
0x29: {  	v15 =	vadd.s32 v7, v15;
	[tilespmem:v10+s13+$0x0] =	vst.idx.add.s32.msk $0xffff, v2  }
0x2a: {  	[tilespmem:v11+s13+$0x0] =	vst.idx.add.s32.msk $0xffff, v2  }
0x2b: {  	[tilespmem:v12+s13+$0x0] =	vst.idx.add.s32.msk $0xffff, v2  }
0x2c: {  	[tilespmem:v13+s13+$0x0] =	vst.idx.add.s32.msk $0xffff, v2  }
0x2d: {  	[tilespmem:v14+s13+$0x0] =	vst.idx.add.s32.msk $0xffff, v2  }
0x2e: {  	s14 =	simm.s32 $0x0;
	s15 =	simm.s32 $0xC0;
	v10 =	vadd.s32 v8, v16;
	v11 =	vadd.s32 v0, v17;
	[tilespmem:v15+s13+$0x0] =	vst.idx.add.s32.msk $0xffff, v2  }
.LBB2_4:
0x2f: {  	v12 =	vld [tilespmem:s15+$0x30];
	s14 =	sadd.s32 $0x8, s14  }
0x30: {  	v13 =	vld [tilespmem:s15+$0xFFFFFFD0];
	p0 =	slt.u32 s14, $0x1F8  }
0x31: {  	v14 =	vld [tilespmem:s15+$0xFFFFFFE0]  }
0x32: {  	v15 =	vld [tilespmem:s15+$0xFFFFFFF0]  }
0x33: {  	v16 =	vld [tilespmem:s15+$0x0]  }
0x34: {  	v17 =	vld [tilespmem:s15+$0x10];
	v12 =	vadd.s32 v9, v12  }
0x35: {  	v13 =	vadd.s32 v3, v13;
	v18 =	vld [tilespmem:s15+$0x20]  }
0x36: {  	v19 =	vld [tilespmem:s15+$0xFFFFFFC0];
	v14 =	vadd.s32 v4, v14  }
0x37: {  	v15 =	vadd.s32 v5, v15;
	[tilespmem:v11+s13+$0x0] =	vst.idx.add.s32.msk $0xffff, v2  }
0x38: {  	v16 =	vadd.s32 v6, v16;
	[tilespmem:v10+s13+$0x0] =	vst.idx.add.s32.msk $0xffff, v2  }
0x39: {  	v17 =	vadd.s32 v7, v17;
	[tilespmem:v12+s13+$0x0] =	vst.idx.add.s32.msk $0xffff, v2  }
.Ltmp1:
0x3a: {  	[tilespmem:v13+s13+$0x0] =	vst.idx.add.s32.msk $0xffff, v2;
	v10 =	vadd.s32 v8, v18;
	(pc) =	sbr.rel @p0 .LBB2_4-.Ltmp1, $4  }
0x3b: {  	v11 =	vadd.s32 v0, v19;
	[tilespmem:v14+s13+$0x0] =	vst.idx.add.s32.msk $0xffff, v2  }
0x3c: {  	[tilespmem:v15+s13+$0x0] =	vst.idx.add.s32.msk $0xffff, v2  }
0x3d: {  	[tilespmem:v16+s13+$0x0] =	vst.idx.add.s32.msk $0xffff, v2  }
0x3e: {  	s15 =	sadd.s32 $0x80, s15;
	[tilespmem:v17+s13+$0x0] =	vst.idx.add.s32.msk $0xffff, v2  }
0x3f: {  	_ =	sdelay $0x3  }
0x40: {  	[tilespmem:v11+s13+$0x0] =	vst.idx.add.s32.msk $0xffff, v2  }
0x41: {  	[tilespmem:v10+s13+$0x0] =	vst.idx.add.s32.msk $0xffff, v2;
	s14 =	simm.s32 $0x0  }
0x42: {  	v12 =	vld [tilespmem:s13+$0x0];
	s15 =	sand.u32 $0xFC0, s14  }
0x43: {  	v15 =	vld [tilespmem:s15+$0x3000]  }
0x44: {  	v10 =	vld [tilespmem:s13+$0x10]  }
0x45: {  	v13 =	vld [tilespmem:s13+$0x1010]  }
0x46: {  	v11 =	vld [tilespmem:s13+$0x20]  }
0x47: {  	v14 =	vld [tilespmem:s13+$0x1020]  }
0x48: {  	s16 =	smov.u32 s13;
	s15 =	smov.u32 s13;
	v15 =	vadd.s32 v12, v15;
	v12 =	vld [tilespmem:s13+$0x30]  }
.LBB2_6:
0x49: {  	s14 =	sadd.s32 $0x40, s14;
	[tilespmem:s15+$0x0] =	vst v15;
	v15 =	vld [tilespmem:s15+$0x1030];
	s16 =	sadd.s32 $0x40, s16  }
0x4a: {  	v16 =	vld [tilespmem:s16+$0x0];
	s17 =	sand.u32 $0xFC0, s14;
	p0 =	slt.u32 s14, $0xFC0;
	v10 =	vadd.s32 v10, v13  }
0x4b: {  	v17 =	vld [tilespmem:s17+$0x3000];
	[tilespmem:s15+$0x10] =	vst v10  }
.Ltmp2:
0x4c: {  	v10 =	vld [tilespmem:s16+$0x10];
	v11 =	vadd.s32 v11, v14;
	(pc) =	sbr.rel @p0 .LBB2_6-.Ltmp2, $4  }
0x4d: {  	v13 =	vld [tilespmem:s16+$0x1010];
	[tilespmem:s15+$0x20] =	vst v11  }
0x4e: {  	v11 =	vld [tilespmem:s16+$0x20];
	v12 =	vadd.s32 v12, v15  }
0x4f: {  	v14 =	vld [tilespmem:s16+$0x1020];
	[tilespmem:s15+$0x30] =	vst v12;
	s15 =	smov.u32 s16  }
0x50: {  	v15 =	vadd.s32 v16, v17;
	v12 =	vld [tilespmem:s16+$0x30]  }
0x51: {  	v16 =	vld [tilespmem:s15+$0x1030];
	_ =	sdelay $0x2  }
0x52: {  	[tilespmem:s15+$0x0] =	vst v15;
	v10 =	vadd.s32 v10, v13  }
0x53: {  	[tilespmem:s15+$0x10] =	vst v10;
	v10 =	vadd.s32 v11, v14  }
0x54: {  	[tilespmem:s15+$0x20] =	vst v10;
	v10 =	vadd.s32 v12, v16  }
0x55: {  	[tilespmem:s15+$0x30] =	vst v10;
	s15 =	simm.s32 $0x0  }
0x56: {  	v12 =	vld [tilespmem:s13+$0x0];
	s14 =	sand.u32 $0x7C0, s15  }
0x57: {  	v15 =	vld [tilespmem:s14+$0x2800]  }
0x58: {  	v10 =	vld [tilespmem:s13+$0x10]  }
0x59: {  	v13 =	vld [tilespmem:s13+$0x810]  }
0x5a: {  	v11 =	vld [tilespmem:s13+$0x20]  }
0x5b: {  	v14 =	vld [tilespmem:s13+$0x820]  }
0x5c: {  	s16 =	smov.u32 s13;
	v15 =	vadd.s32 v12, v15;
	v12 =	vld [tilespmem:s13+$0x30]  }
.LBB2_8:
0x5d: {  	s15 =	sadd.s32 $0x40, s15;
	[tilespmem:s13+$0x0] =	vst v15;
	v15 =	vld [tilespmem:s13+$0x830];
	s16 =	sadd.s32 $0x40, s16  }
0x5e: {  	v16 =	vld [tilespmem:s16+$0x0];
	s14 =	sand.u32 $0x7C0, s15;
	p0 =	slt.u32 s15, $0x7C0;
	v10 =	vadd.s32 v10, v13  }
0x5f: {  	v17 =	vld [tilespmem:s14+$0x2800];
	[tilespmem:s13+$0x10] =	vst v10  }
.Ltmp3:
0x60: {  	v10 =	vld [tilespmem:s16+$0x10];
	v11 =	vadd.s32 v11, v14;
	(pc) =	sbr.rel @p0 .LBB2_8-.Ltmp3, $4  }
0x61: {  	v13 =	vld [tilespmem:s16+$0x810];
	[tilespmem:s13+$0x20] =	vst v11  }
0x62: {  	v11 =	vld [tilespmem:s16+$0x20];
	v12 =	vadd.s32 v12, v15  }
0x63: {  	v14 =	vld [tilespmem:s16+$0x820];
	[tilespmem:s13+$0x30] =	vst v12;
	s13 =	smov.u32 s16  }
0x64: {  	s14 =	simm.s32 $0x2000;
	v15 =	vadd.s32 v16, v17;
	v12 =	vld [tilespmem:s16+$0x30]  }
0x65: {  	v16 =	vld [tilespmem:s13+$0x830];
	_ =	sdelay $0x2  }
0x66: {  	[tilespmem:s13+$0x0] =	vst v15;
	v10 =	vadd.s32 v10, v13  }
0x67: {  	[tilespmem:s13+$0x10] =	vst v10;
	v10 =	vadd.s32 v11, v14  }
0x68: {  	[tilespmem:s13+$0x20] =	vst v10;
	v10 =	vadd.s32 v12, v16  }
0x69: {  	[tilespmem:s13+$0x30] =	vst v10;
	s13 =	simm.s32 $0x0  }
0x6a: {  	v12 =	vld [tilespmem:s14+$0x0];
	s15 =	sand.u32 $0x3C0, s13  }
0x6b: {  	v15 =	vld [tilespmem:s15+$0x2400]  }
0x6c: {  	v10 =	vld [tilespmem:s14+$0x10]  }
0x6d: {  	v13 =	vld [tilespmem:s14+$0x410]  }
0x6e: {  	v11 =	vld [tilespmem:s14+$0x20]  }
0x6f: {  	v14 =	vld [tilespmem:s14+$0x420]  }
0x70: {  	s16 =	simm.s32 $0x2000;
	s15 =	simm.s32 $0x2000;
	v15 =	vadd.s32 v12, v15;
	v12 =	vld [tilespmem:s14+$0x30]  }
.LBB2_10:
0x71: {  	s13 =	sadd.s32 $0x40, s13;
	[tilespmem:s15+$0x0] =	vst v15;
	v15 =	vld [tilespmem:s15+$0x430];
	s16 =	sadd.s32 $0x40, s16  }
0x72: {  	v16 =	vld [tilespmem:s16+$0x0];
	s17 =	sand.u32 $0x3C0, s13;
	p0 =	slt.u32 s13, $0x3C0;
	v10 =	vadd.s32 v10, v13  }
0x73: {  	v17 =	vld [tilespmem:s17+$0x2400];
	[tilespmem:s15+$0x10] =	vst v10  }
.Ltmp4:
0x74: {  	v10 =	vld [tilespmem:s16+$0x10];
	v11 =	vadd.s32 v11, v14;
	(pc) =	sbr.rel @p0 .LBB2_10-.Ltmp4, $4  }
0x75: {  	v13 =	vld [tilespmem:s16+$0x410];
	[tilespmem:s15+$0x20] =	vst v11  }
0x76: {  	v11 =	vld [tilespmem:s16+$0x20];
	v12 =	vadd.s32 v12, v15  }
0x77: {  	v14 =	vld [tilespmem:s16+$0x420];
	[tilespmem:s15+$0x30] =	vst v12;
	s15 =	smov.u32 s16  }
0x78: {  	v15 =	vadd.s32 v16, v17;
	v12 =	vld [tilespmem:s16+$0x30]  }
0x79: {  	v16 =	vld [tilespmem:s15+$0x430];
	_ =	sdelay $0x2  }
0x7a: {  	[tilespmem:s15+$0x0] =	vst v15;
	v10 =	vadd.s32 v10, v13  }
0x7b: {  	[tilespmem:s15+$0x10] =	vst v10;
	v10 =	vadd.s32 v11, v14  }
0x7c: {  	[tilespmem:s15+$0x20] =	vst v10;
	v10 =	vadd.s32 v12, v16  }
0x7d: {  	[tilespmem:s15+$0x30] =	vst v10;
	s15 =	simm.s32 $0x0  }
0x7e: {  	v11 =	vld [tilespmem:s14+$0x0];
	s13 =	sand.u32 $0x1E0, s15  }
0x7f: {  	v12 =	vld [tilespmem:s13+$0x2200]  }
0x80: {  	v13 =	vld [tilespmem:s14+$0x210]  }
0x81: {  	v14 =	vld [tilespmem:s14+$0x10]  }
0x82: {  	s16 =	simm.s32 $0x20;
	s13 =	simm.s32 $0x2020  }
0x83: {  	s17 =	sand.u32 $0x1E0, s16;
	v10 =	vld [tilespmem:s13+$0x0]  }
0x84: {  	v11 =	vadd.s32 v11, v12;
	v12 =	vld [tilespmem:s17+$0x2200];
	_ =	sdelay $0x1  }
0x85: {  	v13 =	vadd.s32 v14, v13;
	s17 =	simm.s32 $0x2020;
	[tilespmem:s14+$0x0] =	vst v11;
	v11 =	vld [tilespmem:s13+$0x210]  }
.LBB2_12:
0x86: {  	s16 =	sadd.s32 $0x20, s16  }
0x87: {  	v14 =	vld [tilespmem:s13+$0x10];
	s17 =	sadd.s32 $0x20, s17;
	[tilespmem:s14+$0x10] =	vst v13;
	p0 =	slt.u32 s16, $0x1E0  }
.Ltmp5:
0x88: {  	s14 =	sand.u32 $0x1E0, s16;
	v13 =	vadd.s32 v10, v12;
	v10 =	vld [tilespmem:s17+$0x0];
	(pc) =	sbr.rel @p0 .LBB2_12-.Ltmp5, $2  }
0x89: {  	v12 =	vld [tilespmem:s14+$0x2200];
	[tilespmem:s13+$0x0] =	vst v13;
	s14 =	smov.u32 s13;
	s13 =	smov.u32 s17;
	_ =	sdelay $0x2  }
0x8a: {  	v13 =	vadd.s32 v14, v11;
	v11 =	vld [tilespmem:s17+$0x210]  }
0x8b: {  	v14 =	vld [tilespmem:s13+$0x10];
	_ =	sdelay $0x3  }
0x8c: {  	[tilespmem:s14+$0x10] =	vst v13;
	v10 =	vadd.s32 v10, v12  }
0x8d: {  	[tilespmem:s13+$0x0] =	vst v10;
	v10 =	vadd.s32 v14, v11  }
0x8e: {  	[tilespmem:s13+$0x10] =	vst v10;
	s13 =	simm.s32 $0x2000  }
0x8f: {  	s31 =	sand.u32 $0xE0, s15;
	v11 =	vld [tilespmem:s13+$0x0]  }
0x90: {  	v12 =	vld [tilespmem:s31+$0x2100]  }
0x91: {  	v13 =	vld [tilespmem:s13+$0x110]  }
0x92: {  	v14 =	vld [tilespmem:s13+$0x10]  }
0x93: {  	s15 =	simm.s32 $0x20;
	s14 =	simm.s32 $0x2020  }
0x94: {  	s16 =	sand.u32 $0xE0, s15;
	v10 =	vld [tilespmem:s14+$0x0]  }
0x95: {  	v11 =	vadd.s32 v11, v12;
	v12 =	vld [tilespmem:s16+$0x2100];
	_ =	sdelay $0x1  }
0x96: {  	s17 =	simm.s32 $0x2000;
	v13 =	vadd.s32 v14, v13;
	s16 =	simm.s32 $0x2020;
	[tilespmem:s13+$0x0] =	vst v11;
	v11 =	vld [tilespmem:s14+$0x110]  }
.LBB2_14:
0x97: {  	s15 =	sadd.s32 $0x20, s15  }
0x98: {  	v14 =	vld [tilespmem:s14+$0x10];
	s16 =	sadd.s32 $0x20, s16;
	[tilespmem:s17+$0x10] =	vst v13;
	p0 =	slt.u32 s15, $0xE0  }
.Ltmp6:
0x99: {  	s17 =	sand.u32 $0xE0, s15;
	v13 =	vadd.s32 v10, v12;
	v10 =	vld [tilespmem:s16+$0x0];
	(pc) =	sbr.rel @p0 .LBB2_14-.Ltmp6, $2  }
0x9a: {  	v12 =	vld [tilespmem:s17+$0x2100];
	[tilespmem:s14+$0x0] =	vst v13;
	s17 =	smov.u32 s14;
	s14 =	smov.u32 s16;
	_ =	sdelay $0x2  }
0x9b: {  	v13 =	vadd.s32 v14, v11;
	v11 =	vld [tilespmem:s16+$0x110]  }
0x9c: {  	v14 =	vld [tilespmem:s14+$0x10];
	_ =	sdelay $0x3  }
0x9d: {  	[tilespmem:s17+$0x10] =	vst v13;
	v10 =	vadd.s32 v10, v12  }
0x9e: {  	[tilespmem:s14+$0x0] =	vst v10;
	v10 =	vadd.s32 v14, v11  }
0x9f: {  	[tilespmem:s14+$0x10] =	vst v10  }
0xa0: {  	v13 =	vld [tilespmem:s13+$0x0]  }
0xa1: {  	v12 =	vld [tilespmem:s13+$0x90]  }
0xa2: {  	v14 =	vld [tilespmem:s13+$0x10]  }
0xa3: {  	v15 =	vld [tilespmem:s13+$0x80]  }
0xa4: {  	s14 =	simm.s32 $0x2020  }
0xa5: {  	v10 =	vld [tilespmem:s14+$0x0];
	_ =	sdelay $0x1  }
0xa6: {  	v11 =	vld [tilespmem:s14+$0x90];
	v14 =	vadd.s32 v14, v12  }
0xa7: {  	s15 =	simm.s32 $0x20;
	s16 =	simm.s32 $0x2020;
	v12 =	vld [tilespmem:s14+$0x10];
	v13 =	vadd.s32 v13, v15;
	[tilespmem:s13+$0x10] =	vst v14  }
.LBB2_16:
0xa8: {  	s15 =	sadd.s32 $0x20, s15  }
0xa9: {  	v14 =	vld [tilespmem:s14+$0x80];
	s16 =	sadd.s32 $0x20, s16;
	[tilespmem:s13+$0x0] =	vst v13;
	v13 =	vmov v10;
	p0 =	slt.u32 s15, $0x60  }
.Ltmp7:
0xaa: {  	s13 =	smov.u32 s14;
	v10 =	vld [tilespmem:s16+$0x0];
	(pc) =	sbr.rel @p0 .LBB2_16-.Ltmp7, $3  }
0xab: {  	s14 =	smov.u32 s16;
	_ =	sdelay $0x1  }
0xac: {  	v15 =	vadd.s32 v12, v11;
	v11 =	vld [tilespmem:s16+$0x90]  }
0xad: {  	v12 =	vld [tilespmem:s16+$0x10];
	v13 =	vadd.s32 v13, v14;
	[tilespmem:s13+$0x10] =	vst v15  }
0xae: {  	v14 =	vld [tilespmem:s14+$0x80];
	_ =	sdelay $0x3  }
0xaf: {  	[tilespmem:s13+$0x0] =	vst v13;
	v11 =	vadd.s32 v12, v11  }
0xb0: {  	v10 =	vadd.s32 v10, v14;
	[tilespmem:s14+$0x10] =	vst v11  }
0xb1: {  	p0 =	por $0x1, $0x1;
	s13 =	simm.s32 $0x0;
	[tilespmem:s14+$0x0] =	vst v10  }
.LBB2_18:
0xb2: {  	v10 =	vld [tilespmem:s13+$0x2000]  }
0xb3: {  	v11 =	vld [tilespmem:s13+$0x2040]  }
0xb4: {  	v12 =	vld [tilespmem:s13+$0x2010]  }
0xb5: {  	v13 =	vld [tilespmem:s13+$0x2050]  }
0xb6: {  	p1 =	por p0, p0  }
.Ltmp8:
0xb7: {  	_ = 	snop;
	(pc) =	sbr.rel @p1 .LBB2_18-.Ltmp8, $4  }
0xb8: {  	_ = 	snop  }
0xb9: {  	v10 =	vadd.s32 v10, v11  }
0xba: {  	[tilespmem:s13+$0x2000] =	vst v10;
	v10 =	vadd.s32 v12, v13  }
0xbb: {  	p0 =	por $0x0, $0x0;
	[tilespmem:s13+$0x2010] =	vst v10;
	s13 =	simm.s32 $0x20  }
0xbc: {  	v10 =	vld [tilespmem:$0x2000]  }
0xbd: {  	v11 =	vld [tilespmem:$0x2010]  }
0xbe: {  	v12 =	vld [tilespmem:$0x2020]  }
0xbf: {  	v13 =	vld [tilespmem:$0x2030];
	_ =	sdelay $0x1  }
0xc0: {  	[tilespmem:$0x4000] =	vst v10  }
0xc1: {  	[tilespmem:$0x4010] =	vst v11  }
0xc2: {  	[tilespmem:$0x4020] =	vst v12  }
0xc3: {  	[tilespmem:$0x4030] =	vst v13  }
0xc4: {  	[hbm4b:s4+s2] =	stream.linear.scatter [tilespmem:s11], [sflag:$0x1], $0x80, $0x38;
	[tilespmem:$0x4080] =	vst v63  }
0xc5: {  	_ =	swait.ge [sflag:s10], $0x80  }
0xc6: {  	[sflag:s10] =	ssyncset.done $0x0  }
0xc7: {  	s13 =	simm.s32 $0x2020;
	[sflag:s10] =	ssyncadd.s32 $0xFFFFFF80  }
0xc8: {  	[tilespmem:s13+$0xFFFFFFE0] =	vst v1  }
0xc9: {  	[tilespmem:s13+$0x10] =	vst v1  }
0xca: {  	s14 =	simm.s32 $0x0;
	[tilespmem:s13+$0x0] =	vst v1  }
.LBB2_20:
0xcb: {  	s14 =	sadd.s32 $0x40, s14  }
0xcc: {  	[tilespmem:s13+$0xFFFFFFF0] =	vst v1;
	s13 =	sadd.s32 $0x40, s13;
	p0 =	slt.u32 s14, $0x1FC0  }
.Ltmp9:
0xcd: {  	[tilespmem:s13+$0xFFFFFFE0] =	vst v1;
	(pc) =	sbr.rel @p0 .LBB2_20-.Ltmp9, $3  }
0xce: {  	_ =	sdelay $0x1  }
0xcf: {  	[tilespmem:s13+$0x10] =	vst v1  }
0xd0: {  	[tilespmem:s13+$0x0] =	vst v1  }
0xd1: {  	[tilespmem:s13+$0xFFFFFFF0] =	vst v1  }
0xd2: {  	[tilespmem:s2], [sflag:$0x1] =	stream.strided.gather [hbm4b:s5+s8], $0x2000, s9, s8, $0x38;
	[tilespmem:$0x4080] =	vst v63  }
0xd3: {  	_ =	swait.ge [sflag:s10], $0x2000  }
0xd4: {  	[sflag:s10] =	ssyncset.done $0x0  }
0xd5: {  	s31 =	simm.s32 $0x40;
	[sflag:s10] =	ssyncadd.s32 $0xFFFFE000  }
0xd6: {  	v10 =	vld [tilespmem:s31+$0x30]  }
0xd7: {  	v11 =	vld [tilespmem:s31+$0xFFFFFFD0]  }
0xd8: {  	v12 =	vld [tilespmem:s31+$0xFFFFFFE0]  }
0xd9: {  	v13 =	vld [tilespmem:s31+$0xFFFFFFF0]  }
0xda: {  	v14 =	vld [tilespmem:s31+$0x0]  }
0xdb: {  	v15 =	vld [tilespmem:s31+$0x10];
	v10 =	vadd.s32 v9, v10  }
0xdc: {  	v11 =	vadd.s32 v3, v11  }
0xdd: {  	v12 =	vadd.s32 v4, v12  }
0xde: {  	v16 =	vld [tilespmem:s31+$0x20];
	v13 =	vadd.s32 v5, v13  }
0xdf: {  	s13 =	simm.s32 $0x2000;
	v17 =	vld [tilespmem:s31+$0xFFFFFFC0];
	v14 =	vadd.s32 v6, v14  }
0xe0: {  	v15 =	vadd.s32 v7, v15;
	[tilespmem:v10+s13+$0x0] =	vst.idx.add.s32.msk $0xffff, v2  }
0xe1: {  	[tilespmem:v11+s13+$0x0] =	vst.idx.add.s32.msk $0xffff, v2  }
0xe2: {  	[tilespmem:v12+s13+$0x0] =	vst.idx.add.s32.msk $0xffff, v2  }
0xe3: {  	[tilespmem:v13+s13+$0x0] =	vst.idx.add.s32.msk $0xffff, v2  }
0xe4: {  	[tilespmem:v14+s13+$0x0] =	vst.idx.add.s32.msk $0xffff, v2  }
0xe5: {  	s14 =	simm.s32 $0x0;
	s15 =	simm.s32 $0xC0;
	v10 =	vadd.s32 v8, v16;
	v11 =	vadd.s32 v0, v17;
	[tilespmem:v15+s13+$0x0] =	vst.idx.add.s32.msk $0xffff, v2  }
.LBB2_22:
0xe6: {  	v12 =	vld [tilespmem:s15+$0x30];
	s14 =	sadd.s32 $0x8, s14  }
0xe7: {  	v13 =	vld [tilespmem:s15+$0xFFFFFFD0];
	p0 =	slt.u32 s14, $0x1F8  }
0xe8: {  	v14 =	vld [tilespmem:s15+$0xFFFFFFE0]  }
0xe9: {  	v15 =	vld [tilespmem:s15+$0xFFFFFFF0]  }
0xea: {  	v16 =	vld [tilespmem:s15+$0x0]  }
0xeb: {  	v17 =	vld [tilespmem:s15+$0x10];
	v12 =	vadd.s32 v9, v12  }
0xec: {  	v13 =	vadd.s32 v3, v13;
	v18 =	vld [tilespmem:s15+$0x20]  }
0xed: {  	v19 =	vld [tilespmem:s15+$0xFFFFFFC0];
	v14 =	vadd.s32 v4, v14  }
0xee: {  	v15 =	vadd.s32 v5, v15;
	[tilespmem:v11+s13+$0x0] =	vst.idx.add.s32.msk $0xffff, v2  }
0xef: {  	v16 =	vadd.s32 v6, v16;
	[tilespmem:v10+s13+$0x0] =	vst.idx.add.s32.msk $0xffff, v2  }
0xf0: {  	v17 =	vadd.s32 v7, v17;
	[tilespmem:v12+s13+$0x0] =	vst.idx.add.s32.msk $0xffff, v2  }
.Ltmp10:
0xf1: {  	[tilespmem:v13+s13+$0x0] =	vst.idx.add.s32.msk $0xffff, v2;
	v10 =	vadd.s32 v8, v18;
	(pc) =	sbr.rel @p0 .LBB2_22-.Ltmp10, $4  }
0xf2: {  	v11 =	vadd.s32 v0, v19;
	[tilespmem:v14+s13+$0x0] =	vst.idx.add.s32.msk $0xffff, v2  }
0xf3: {  	[tilespmem:v15+s13+$0x0] =	vst.idx.add.s32.msk $0xffff, v2  }
0xf4: {  	[tilespmem:v16+s13+$0x0] =	vst.idx.add.s32.msk $0xffff, v2  }
0xf5: {  	s15 =	sadd.s32 $0x80, s15;
	[tilespmem:v17+s13+$0x0] =	vst.idx.add.s32.msk $0xffff, v2  }
0xf6: {  	_ =	sdelay $0x3  }
0xf7: {  	[tilespmem:v11+s13+$0x0] =	vst.idx.add.s32.msk $0xffff, v2  }
0xf8: {  	[tilespmem:v10+s13+$0x0] =	vst.idx.add.s32.msk $0xffff, v2;
	s14 =	simm.s32 $0x0  }
0xf9: {  	v12 =	vld [tilespmem:s13+$0x0];
	s15 =	sand.u32 $0xFC0, s14  }
0xfa: {  	v15 =	vld [tilespmem:s15+$0x3000]  }
0xfb: {  	v10 =	vld [tilespmem:s13+$0x10]  }
0xfc: {  	v13 =	vld [tilespmem:s13+$0x1010]  }
0xfd: {  	v11 =	vld [tilespmem:s13+$0x20]  }
0xfe: {  	v14 =	vld [tilespmem:s13+$0x1020]  }
0xff: {  	s16 =	smov.u32 s13;
	s15 =	smov.u32 s13;
	v15 =	vadd.s32 v12, v15;
	v12 =	vld [tilespmem:s13+$0x30]  }
.LBB2_24:
0x100: {  	s14 =	sadd.s32 $0x40, s14;
	[tilespmem:s15+$0x0] =	vst v15;
	v15 =	vld [tilespmem:s15+$0x1030];
	s16 =	sadd.s32 $0x40, s16  }
0x101: {  	v16 =	vld [tilespmem:s16+$0x0];
	s17 =	sand.u32 $0xFC0, s14;
	p0 =	slt.u32 s14, $0xFC0;
	v10 =	vadd.s32 v10, v13  }
0x102: {  	v17 =	vld [tilespmem:s17+$0x3000];
	[tilespmem:s15+$0x10] =	vst v10  }
.Ltmp11:
0x103: {  	v10 =	vld [tilespmem:s16+$0x10];
	v11 =	vadd.s32 v11, v14;
	(pc) =	sbr.rel @p0 .LBB2_24-.Ltmp11, $4  }
0x104: {  	v13 =	vld [tilespmem:s16+$0x1010];
	[tilespmem:s15+$0x20] =	vst v11  }
0x105: {  	v11 =	vld [tilespmem:s16+$0x20];
	v12 =	vadd.s32 v12, v15  }
0x106: {  	v14 =	vld [tilespmem:s16+$0x1020];
	[tilespmem:s15+$0x30] =	vst v12;
	s15 =	smov.u32 s16  }
0x107: {  	v15 =	vadd.s32 v16, v17;
	v12 =	vld [tilespmem:s16+$0x30]  }
0x108: {  	v16 =	vld [tilespmem:s15+$0x1030];
	_ =	sdelay $0x2  }
0x109: {  	[tilespmem:s15+$0x0] =	vst v15;
	v10 =	vadd.s32 v10, v13  }
0x10a: {  	[tilespmem:s15+$0x10] =	vst v10;
	v10 =	vadd.s32 v11, v14  }
0x10b: {  	[tilespmem:s15+$0x20] =	vst v10;
	v10 =	vadd.s32 v12, v16  }
0x10c: {  	[tilespmem:s15+$0x30] =	vst v10;
	s15 =	simm.s32 $0x0  }
0x10d: {  	v12 =	vld [tilespmem:s13+$0x0];
	s14 =	sand.u32 $0x7C0, s15  }
0x10e: {  	v15 =	vld [tilespmem:s14+$0x2800]  }
0x10f: {  	v10 =	vld [tilespmem:s13+$0x10]  }
0x110: {  	v13 =	vld [tilespmem:s13+$0x810]  }
0x111: {  	v11 =	vld [tilespmem:s13+$0x20]  }
0x112: {  	v14 =	vld [tilespmem:s13+$0x820]  }
0x113: {  	s16 =	smov.u32 s13;
	v15 =	vadd.s32 v12, v15;
	v12 =	vld [tilespmem:s13+$0x30]  }
.LBB2_26:
0x114: {  	s15 =	sadd.s32 $0x40, s15;
	[tilespmem:s13+$0x0] =	vst v15;
	v15 =	vld [tilespmem:s13+$0x830];
	s16 =	sadd.s32 $0x40, s16  }
0x115: {  	v16 =	vld [tilespmem:s16+$0x0];
	s14 =	sand.u32 $0x7C0, s15;
	p0 =	slt.u32 s15, $0x7C0;
	v10 =	vadd.s32 v10, v13  }
0x116: {  	v17 =	vld [tilespmem:s14+$0x2800];
	[tilespmem:s13+$0x10] =	vst v10  }
.Ltmp12:
0x117: {  	v10 =	vld [tilespmem:s16+$0x10];
	v11 =	vadd.s32 v11, v14;
	(pc) =	sbr.rel @p0 .LBB2_26-.Ltmp12, $4  }
0x118: {  	v13 =	vld [tilespmem:s16+$0x810];
	[tilespmem:s13+$0x20] =	vst v11  }
0x119: {  	v11 =	vld [tilespmem:s16+$0x20];
	v12 =	vadd.s32 v12, v15  }
0x11a: {  	v14 =	vld [tilespmem:s16+$0x820];
	[tilespmem:s13+$0x30] =	vst v12;
	s13 =	smov.u32 s16  }
0x11b: {  	s14 =	simm.s32 $0x2000;
	v15 =	vadd.s32 v16, v17;
	v12 =	vld [tilespmem:s16+$0x30]  }
0x11c: {  	v16 =	vld [tilespmem:s13+$0x830];
	_ =	sdelay $0x2  }
0x11d: {  	[tilespmem:s13+$0x0] =	vst v15;
	v10 =	vadd.s32 v10, v13  }
0x11e: {  	[tilespmem:s13+$0x10] =	vst v10;
	v10 =	vadd.s32 v11, v14  }
0x11f: {  	[tilespmem:s13+$0x20] =	vst v10;
	v10 =	vadd.s32 v12, v16  }
0x120: {  	[tilespmem:s13+$0x30] =	vst v10;
	s13 =	simm.s32 $0x0  }
0x121: {  	v12 =	vld [tilespmem:s14+$0x0];
	s15 =	sand.u32 $0x3C0, s13  }
0x122: {  	v15 =	vld [tilespmem:s15+$0x2400]  }
0x123: {  	v10 =	vld [tilespmem:s14+$0x10]  }
0x124: {  	v13 =	vld [tilespmem:s14+$0x410]  }
0x125: {  	v11 =	vld [tilespmem:s14+$0x20]  }
0x126: {  	v14 =	vld [tilespmem:s14+$0x420]  }
0x127: {  	s16 =	simm.s32 $0x2000;
	s15 =	simm.s32 $0x2000;
	v15 =	vadd.s32 v12, v15;
	v12 =	vld [tilespmem:s14+$0x30]  }
.LBB2_28:
0x128: {  	s13 =	sadd.s32 $0x40, s13;
	[tilespmem:s15+$0x0] =	vst v15;
	v15 =	vld [tilespmem:s15+$0x430];
	s16 =	sadd.s32 $0x40, s16  }
0x129: {  	v16 =	vld [tilespmem:s16+$0x0];
	s17 =	sand.u32 $0x3C0, s13;
	p0 =	slt.u32 s13, $0x3C0;
	v10 =	vadd.s32 v10, v13  }
0x12a: {  	v17 =	vld [tilespmem:s17+$0x2400];
	[tilespmem:s15+$0x10] =	vst v10  }
.Ltmp13:
0x12b: {  	v10 =	vld [tilespmem:s16+$0x10];
	v11 =	vadd.s32 v11, v14;
	(pc) =	sbr.rel @p0 .LBB2_28-.Ltmp13, $4  }
0x12c: {  	v13 =	vld [tilespmem:s16+$0x410];
	[tilespmem:s15+$0x20] =	vst v11  }
0x12d: {  	v11 =	vld [tilespmem:s16+$0x20];
	v12 =	vadd.s32 v12, v15  }
0x12e: {  	v14 =	vld [tilespmem:s16+$0x420];
	[tilespmem:s15+$0x30] =	vst v12;
	s15 =	smov.u32 s16  }
0x12f: {  	v15 =	vadd.s32 v16, v17;
	v12 =	vld [tilespmem:s16+$0x30]  }
0x130: {  	v16 =	vld [tilespmem:s15+$0x430];
	_ =	sdelay $0x2  }
0x131: {  	[tilespmem:s15+$0x0] =	vst v15;
	v10 =	vadd.s32 v10, v13  }
0x132: {  	[tilespmem:s15+$0x10] =	vst v10;
	v10 =	vadd.s32 v11, v14  }
0x133: {  	[tilespmem:s15+$0x20] =	vst v10;
	v10 =	vadd.s32 v12, v16  }
0x134: {  	[tilespmem:s15+$0x30] =	vst v10;
	s15 =	simm.s32 $0x0  }
0x135: {  	v11 =	vld [tilespmem:s14+$0x0];
	s13 =	sand.u32 $0x1E0, s15  }
0x136: {  	v12 =	vld [tilespmem:s13+$0x2200]  }
0x137: {  	v13 =	vld [tilespmem:s14+$0x210]  }
0x138: {  	v14 =	vld [tilespmem:s14+$0x10]  }
0x139: {  	s16 =	simm.s32 $0x20;
	s13 =	simm.s32 $0x2020  }
0x13a: {  	s17 =	sand.u32 $0x1E0, s16;
	v10 =	vld [tilespmem:s13+$0x0]  }
0x13b: {  	v11 =	vadd.s32 v11, v12;
	v12 =	vld [tilespmem:s17+$0x2200];
	_ =	sdelay $0x1  }
0x13c: {  	v13 =	vadd.s32 v14, v13;
	s17 =	simm.s32 $0x2020;
	[tilespmem:s14+$0x0] =	vst v11;
	v11 =	vld [tilespmem:s13+$0x210]  }
.LBB2_30:
0x13d: {  	s16 =	sadd.s32 $0x20, s16  }
0x13e: {  	v14 =	vld [tilespmem:s13+$0x10];
	s17 =	sadd.s32 $0x20, s17;
	[tilespmem:s14+$0x10] =	vst v13;
	p0 =	slt.u32 s16, $0x1E0  }
.Ltmp14:
0x13f: {  	s14 =	sand.u32 $0x1E0, s16;
	v13 =	vadd.s32 v10, v12;
	v10 =	vld [tilespmem:s17+$0x0];
	(pc) =	sbr.rel @p0 .LBB2_30-.Ltmp14, $2  }
0x140: {  	v12 =	vld [tilespmem:s14+$0x2200];
	[tilespmem:s13+$0x0] =	vst v13;
	s14 =	smov.u32 s13;
	s13 =	smov.u32 s17;
	_ =	sdelay $0x2  }
0x141: {  	v13 =	vadd.s32 v14, v11;
	v11 =	vld [tilespmem:s17+$0x210]  }
0x142: {  	v14 =	vld [tilespmem:s13+$0x10];
	_ =	sdelay $0x3  }
0x143: {  	[tilespmem:s14+$0x10] =	vst v13;
	v10 =	vadd.s32 v10, v12  }
0x144: {  	[tilespmem:s13+$0x0] =	vst v10;
	v10 =	vadd.s32 v14, v11  }
0x145: {  	[tilespmem:s13+$0x10] =	vst v10;
	s13 =	simm.s32 $0x2000  }
0x146: {  	s31 =	sand.u32 $0xE0, s15;
	v11 =	vld [tilespmem:s13+$0x0]  }
0x147: {  	v12 =	vld [tilespmem:s31+$0x2100]  }
0x148: {  	v13 =	vld [tilespmem:s13+$0x110]  }
0x149: {  	v14 =	vld [tilespmem:s13+$0x10]  }
0x14a: {  	s15 =	simm.s32 $0x20;
	s14 =	simm.s32 $0x2020  }
0x14b: {  	s16 =	sand.u32 $0xE0, s15;
	v10 =	vld [tilespmem:s14+$0x0]  }
0x14c: {  	v11 =	vadd.s32 v11, v12;
	v12 =	vld [tilespmem:s16+$0x2100];
	_ =	sdelay $0x1  }
0x14d: {  	s17 =	simm.s32 $0x2000;
	v13 =	vadd.s32 v14, v13;
	s16 =	simm.s32 $0x2020;
	[tilespmem:s13+$0x0] =	vst v11;
	v11 =	vld [tilespmem:s14+$0x110]  }
.LBB2_32:
0x14e: {  	s15 =	sadd.s32 $0x20, s15  }
0x14f: {  	v14 =	vld [tilespmem:s14+$0x10];
	s16 =	sadd.s32 $0x20, s16;
	[tilespmem:s17+$0x10] =	vst v13;
	p0 =	slt.u32 s15, $0xE0  }
.Ltmp15:
0x150: {  	s17 =	sand.u32 $0xE0, s15;
	v13 =	vadd.s32 v10, v12;
	v10 =	vld [tilespmem:s16+$0x0];
	(pc) =	sbr.rel @p0 .LBB2_32-.Ltmp15, $2  }
0x151: {  	v12 =	vld [tilespmem:s17+$0x2100];
	[tilespmem:s14+$0x0] =	vst v13;
	s17 =	smov.u32 s14;
	s14 =	smov.u32 s16;
	_ =	sdelay $0x2  }
0x152: {  	v13 =	vadd.s32 v14, v11;
	v11 =	vld [tilespmem:s16+$0x110]  }
0x153: {  	v14 =	vld [tilespmem:s14+$0x10];
	_ =	sdelay $0x3  }
0x154: {  	[tilespmem:s17+$0x10] =	vst v13;
	v10 =	vadd.s32 v10, v12  }
0x155: {  	[tilespmem:s14+$0x0] =	vst v10;
	v10 =	vadd.s32 v14, v11  }
0x156: {  	[tilespmem:s14+$0x10] =	vst v10  }
0x157: {  	v13 =	vld [tilespmem:s13+$0x0]  }
0x158: {  	v12 =	vld [tilespmem:s13+$0x90]  }
0x159: {  	v14 =	vld [tilespmem:s13+$0x10]  }
0x15a: {  	v15 =	vld [tilespmem:s13+$0x80]  }
0x15b: {  	s14 =	simm.s32 $0x2020  }
0x15c: {  	v10 =	vld [tilespmem:s14+$0x0];
	_ =	sdelay $0x1  }
0x15d: {  	v11 =	vld [tilespmem:s14+$0x90];
	v14 =	vadd.s32 v14, v12  }
0x15e: {  	s15 =	simm.s32 $0x20;
	s16 =	simm.s32 $0x2020;
	v12 =	vld [tilespmem:s14+$0x10];
	v13 =	vadd.s32 v13, v15;
	[tilespmem:s13+$0x10] =	vst v14  }
.LBB2_34:
0x15f: {  	s15 =	sadd.s32 $0x20, s15  }
0x160: {  	v14 =	vld [tilespmem:s14+$0x80];
	s16 =	sadd.s32 $0x20, s16;
	[tilespmem:s13+$0x0] =	vst v13;
	v13 =	vmov v10;
	p0 =	slt.u32 s15, $0x60  }
.Ltmp16:
0x161: {  	s13 =	smov.u32 s14;
	v10 =	vld [tilespmem:s16+$0x0];
	(pc) =	sbr.rel @p0 .LBB2_34-.Ltmp16, $3  }
0x162: {  	s14 =	smov.u32 s16;
	_ =	sdelay $0x1  }
0x163: {  	v15 =	vadd.s32 v12, v11;
	v11 =	vld [tilespmem:s16+$0x90]  }
0x164: {  	v12 =	vld [tilespmem:s16+$0x10];
	v13 =	vadd.s32 v13, v14;
	[tilespmem:s13+$0x10] =	vst v15  }
0x165: {  	v14 =	vld [tilespmem:s14+$0x80];
	_ =	sdelay $0x3  }
0x166: {  	[tilespmem:s13+$0x0] =	vst v13;
	v11 =	vadd.s32 v12, v11  }
0x167: {  	v10 =	vadd.s32 v10, v14;
	[tilespmem:s14+$0x10] =	vst v11  }
0x168: {  	p0 =	por $0x1, $0x1;
	s13 =	simm.s32 $0x0;
	[tilespmem:s14+$0x0] =	vst v10  }
.LBB2_36:
0x169: {  	v10 =	vld [tilespmem:s13+$0x2000]  }
0x16a: {  	v11 =	vld [tilespmem:s13+$0x2040]  }
0x16b: {  	v12 =	vld [tilespmem:s13+$0x2010]  }
0x16c: {  	v13 =	vld [tilespmem:s13+$0x2050]  }
0x16d: {  	p1 =	por p0, p0  }
.Ltmp17:
0x16e: {  	_ = 	snop;
	(pc) =	sbr.rel @p1 .LBB2_36-.Ltmp17, $4  }
0x16f: {  	_ = 	snop  }
0x170: {  	v10 =	vadd.s32 v10, v11  }
0x171: {  	[tilespmem:s13+$0x2000] =	vst v10;
	v10 =	vadd.s32 v12, v13  }
0x172: {  	p0 =	por $0x0, $0x0;
	[tilespmem:s13+$0x2010] =	vst v10;
	s13 =	simm.s32 $0x20  }
0x173: {  	v10 =	vld [tilespmem:$0x2000]  }
0x174: {  	v11 =	vld [tilespmem:$0x2010]  }
0x175: {  	v12 =	vld [tilespmem:$0x2020]  }
0x176: {  	v13 =	vld [tilespmem:$0x2030];
	_ =	sdelay $0x1  }
0x177: {  	[tilespmem:$0x4000] =	vst v10  }
0x178: {  	s12 =	sadd.s32 $0x1, s12;
	[tilespmem:$0x4010] =	vst v11  }
0x179: {  	p0 =	sne.s32 s12, s7;
	[tilespmem:$0x4020] =	vst v12  }
.Ltmp18:
0x17a: {  	[tilespmem:$0x4030] =	vst v13;
	(pc) =	sbr.rel @p0 .LBB2_1-.Ltmp18, $4  }
0x17b: {  	[hbm4b:s6+s2] =	stream.linear.scatter [tilespmem:s11], [sflag:$0x1], $0x80, $0x38;
	[tilespmem:$0x4080] =	vst v63  }
0x17c: {  	_ =	swait.ge [sflag:s10], $0x80  }
0x17d: {  	[sflag:s10] =	ssyncset.done $0x0  }
0x17e: {  	[sflag:s10] =	ssyncadd.s32 $0xFFFFFF80  }
0x17f: {  	_ =	sfence.sel $0x180000  }
0x180: {  	[bflag:$0x0] =	sbarrier.arrive $0xFFFF  }
0x181: {  	p0 =	sne.s32 s1, $0x0;
	_ =	strace $0x90000047  }
0x182: {  	s0 =	sadd.s32 @!p0 $0x100000, s0;
	[bflag:$0x2] =	sbarrier.arrive $0xFFFF  }
0x183: {  	[sflag:s0] =	ssyncadd.tile.s32 @!p0 $0x1;
	_ =	shalt  }
.Lfunc_end2:
_tile_overlayer_lowered:
.L_overlay_start_2:
0x184: {  	(tag) =	ssettag $0x2  }
0x185: {  	s0 =	rddreg [dreg:$0x0];
	s2 =	stileid.u32  }
0x186: {  	s1 =	rddreg [dreg:$0x1];
	p0 =	sne.s32 s2, $0x0  }
0x187: {  	s3 =	rddreg [dreg:$0x2];
	[bflag:$0x3] =	sbarrier.arrive $0xFFFF;
	s2 =	simm.s32 @!p0 $0x1C01  }
0x188: {  	[timem:s3], [sflag:s2] =	dma.local @!p0 [hbm:s0], s1  }
0x189: {  	s0 =	simm.s32 @!p0 $0x1  }
0x18a: {  	_ =	swait.ge @!p0 [sflag:s0], s1  }
0x18b: {  	s1 =	ssub.s32 @!p0 $0x0, s1;
	[sflag:s0] =	ssyncset.done @!p0 $0x0  }
0x18c: {  	[sflag:s0] =	ssyncadd.s32 @!p0 s1  }
0x18d: {  	[bflag:$0x3] =	sbarrier.arrive $0xFFFF  }
0x18e: {  	_ =	shalt  }

</sc_bundles>
